<compile_context>
chip_gen: v7x
topology: tpu7x:2x2x1
jax: 0.10.2.dev20260603
libtpu: 0.0.44.dev20260713+nightly
codegen_flags: <defaults>
</compile_context>

<pallas_src>
import functools

import jax
import jax.numpy as jnp
from jax import lax
from jax.experimental import pallas as pl
from jax.experimental.pallas import tpu as pltpu
from jax.experimental.pallas import tpu_sc as plsc

DIM = 32
NN = 20
B = 16384
N_ENT = 1000000
N_REL = 1000
N_USER = 100000
NC = 2
NS = 16
NW = NC * NS
L = 16

IPC = 128
CHUNK = 1280
JPC = CHUNK // IPC

TOT_NBR = B * NN
NBR_PER_W = TOT_NBR // NW
NBR_CHUNKS = NBR_PER_W // CHUNK
PAIR_PER_W = B // NW

RT = B // 8
CT = NN * DIM // 128


def _sc_gather_half(nbr1, pairs1, nbr_table, nbr_conv, pair_specs, name):
  mesh = plsc.VectorSubcoreMesh(core_axis_name="c", subcore_axis_name="s")

  @functools.partial(
      pl.kernel, mesh=mesh, name=name,
      out_type=[jax.ShapeDtypeStruct((TOT_NBR, DIM), jnp.float32)] + [
          jax.ShapeDtypeStruct((B, DIM), jnp.float32)
          for _ in pair_specs
      ],
      scratch_types=[
          pltpu.VMEM((PAIR_PER_W, NN), jnp.int32),
          pltpu.VMEM((PAIR_PER_W, 2), jnp.int32),
          pltpu.VMEM((CHUNK,), jnp.int32),
          pltpu.VMEM((CHUNK, DIM), jnp.float32),
          pltpu.SemaphoreType.DMA,
      ],
      compiler_params=pltpu.CompilerParams(
          use_tc_tiling_on_sc=False, needs_layout_passes=False),
  )
  def k(nbr_h, pairs_h, ntab_h, *rest):
    ptabs = rest[:len(pair_specs)]
    nbr_out = rest[len(pair_specs)]
    pair_outs = rest[len(pair_specs) + 1:len(pair_specs) * 2 + 1]
    idx2d, pairs2d, flat_idx, rows_v, sem = rest[len(pair_specs) * 2 + 1:]
    wid = lax.axis_index("s") * NC + lax.axis_index("c")
    iota = lax.iota(jnp.int32, L)

    def xform(e, is_conv):
      if not is_conv:
        return e
      return ((e >> 14) << 14) | ((e & 4095) << 2) | ((e >> 12) & 3)

    def gather(table_h, n_rows):
      jn = n_rows // IPC
      cps = [
          pltpu.async_copy(
              table_h.at[flat_idx.at[pl.ds(j * IPC, IPC)]],
              rows_v.at[pl.ds(j * IPC, IPC)], sem)
          for j in range(jn)
      ]
      for cp in cps:
        cp.wait()

    pltpu.sync_copy(nbr_h.at[pl.ds(wid * PAIR_PER_W, PAIR_PER_W)], idx2d)

    def chunk_body(c, _):
      def flatten(s, _):
        dl = c * CHUNK + s * L + iota
        kk = dl & 3
        r = (dl >> 2) & 7
        q = dl >> 5
        b8 = (q * 52429) >> 18
        cc = q - b8 * 5
        bl = b8 * 8 + r
        n = cc * 4 + kk
        e = plsc.load_gather(idx2d, [bl, n])
        flat_idx[pl.ds(s * L, L)] = xform(e, nbr_conv)
        return _

      lax.fori_loop(0, CHUNK // L, flatten, None)
      gather(ntab_h, CHUNK)
      pltpu.sync_copy(
          rows_v, nbr_out.at[pl.ds(wid * NBR_PER_W + c * CHUNK, CHUNK)])
      return _

    lax.fori_loop(0, NBR_CHUNKS, chunk_body, None)

    if pair_specs:
      pltpu.sync_copy(pairs_h.at[pl.ds(wid * PAIR_PER_W, PAIR_PER_W)],
                      pairs2d)
    for (pcol, _, pair_conv), ptab_h, pair_out in zip(
        pair_specs, ptabs, pair_outs):
      def pflatten(s, _, pcol=pcol, pair_conv=pair_conv):
        bl = s * L + iota
        e = plsc.load_gather(pairs2d, [bl, jnp.full((L,), pcol, jnp.int32)])
        flat_idx[pl.ds(s * L, L)] = xform(e, pair_conv)
        return _

      lax.fori_loop(0, PAIR_PER_W // L, pflatten, None)
      gather(ptab_h, PAIR_PER_W)
      pltpu.sync_copy(rows_v.at[pl.ds(0, PAIR_PER_W)],
                      pair_out.at[pl.ds(wid * PAIR_PER_W, PAIR_PER_W)])

  return k(nbr1, pairs1, nbr_table, *[t for _, t, _ in pair_specs])


CW = 16384


CW4 = CW // 4


def _conv_kernel(x_ref, o_ref):
  x = x_ref[...]
  x2 = jnp.concatenate([x[:, a * CW4:(a + 1) * CW4] for a in range(4)],
                       axis=0)
  o_ref[...] = jnp.transpose(x2)


def _convert(table_t, n_rows):
  grid = (n_rows + CW - 1) // CW
  return pl.pallas_call(
      _conv_kernel,
      grid=(grid,),
      in_specs=[pl.BlockSpec((DIM, CW), lambda i: (0, i))],
      out_specs=pl.BlockSpec((CW4, 128), lambda i: (i, 0)),
      out_shape=jax.ShapeDtypeStruct((grid * CW4, 128), jnp.float32),
  )(table_t)


BLK = 512
GRID = B // BLK
BRT = BLK // 8


def _dense_kernel(u_ref, it_ref, rel4_ref, tail4_ref, wr_ref, wt_ref,
                  b_ref, y_ref, out_ref):
  u = u_ref[...]
  it = it_ref[...]
  x = b_ref[...]
  for g in range(CT):
    xr = rel4_ref[:, g].reshape(BLK, 128)
    xt = tail4_ref[:, g].reshape(BLK, 128)
    x = x + jnp.dot(xr, wr_ref[pl.ds(g * 128, 128), :],
                    preferred_element_type=jnp.float32)
    x = x + jnp.dot(xt, wt_ref[pl.ds(g * 128, 128), :],
                    preferred_element_type=jnp.float32)
  fi = jax.nn.sigmoid(x)
  y = y_ref[0, 0, :]

  def bce_sum(logits):
    p = jax.nn.sigmoid(logits)
    p = jnp.clip(p, 1e-7, 1.0 - 1e-7)
    return jnp.sum(-(y * jnp.log(p) + (1.0 - y) * jnp.log1p(-p)))

  d1 = jnp.sum(u * it, axis=1)
  d2 = jnp.sum(u * fi, axis=1)
  partial = (bce_sum(d1) + bce_sum(d2)) * (1.0 / B)

  @pl.when(pl.program_id(0) == 0)
  def _():
    out_ref[...] = jnp.zeros_like(out_ref)

  out_ref[...] += partial.reshape(1, 1)


def _dense(user_rows, item_rows, rel4, tail4, wr_s, wt_s, b2, y3):
  return pl.pallas_call(
      _dense_kernel,
      grid=(GRID,),
      in_specs=[
          pl.BlockSpec((BLK, DIM), lambda i: (i, 0)),
          pl.BlockSpec((BLK, DIM), lambda i: (i, 0)),
          pl.BlockSpec((BRT, CT, 8, 128), lambda i: (i, 0, 0, 0)),
          pl.BlockSpec((BRT, CT, 8, 128), lambda i: (i, 0, 0, 0)),
          pl.BlockSpec((NN * DIM, DIM), lambda i: (0, 0)),
          pl.BlockSpec((NN * DIM, DIM), lambda i: (0, 0)),
          pl.BlockSpec((1, DIM), lambda i: (0, 0)),
          pl.BlockSpec((1, 1, BLK), lambda i: (i, 0, 0)),
      ],
      out_specs=pl.BlockSpec((1, 1), lambda i: (0, 0)),
      out_shape=jax.ShapeDtypeStruct((1, 1), jnp.float32),
  )(user_rows, item_rows, rel4, tail4, wr_s, wt_s, b2, y3)


def kernel(pairs, label, neighbor_relations, neighbor_tails,
           user_mat, entity_mat, relation_mat, W, b):
  pairs_i = pairs.astype(jnp.int32)
  user_c = _convert(user_mat.T, N_USER).reshape(-1, DIM)
  rel_rows, user_rows = _sc_gather_half(
      neighbor_relations.astype(jnp.int32), pairs_i,
      relation_mat, False, [(0, user_c, True)], "sc_rel_user")
  ent_c = _convert(entity_mat.T, N_ENT).reshape(-1, DIM)
  tail_rows, item_rows = _sc_gather_half(
      neighbor_tails.astype(jnp.int32), pairs_i,
      ent_c, True, [(1, ent_c, True)], "sc_tail_item")

  w4 = W.reshape(DIM, NN, 2, DIM)
  wr_s = w4[:, :, 0, :].transpose(1, 2, 0).reshape(NN * DIM, DIM)
  wt_s = w4[:, :, 1, :].transpose(1, 2, 0).reshape(NN * DIM, DIM)

  rel4 = rel_rows.reshape(RT, CT, 8, 128)
  tail4 = tail_rows.reshape(RT, CT, 8, 128)
  b2 = b.reshape(1, DIM)
  y3 = label.reshape(GRID, 1, BLK)

  out = _dense(user_rows, item_rows, rel4, tail4, wr_s, wt_s, b2, y3)
  return out[0, 0]

# --- scband reference (transcript-rebuilt; emitter-appended) ---
"""Pipeline reference for scband-cfg-46832323395936 (READ-ONLY COPY).

The authoritative reference and input builder live on the scoring server;
editing this copy changes nothing except your own understanding.
"""

import jax, jax.numpy as jnp
import numpy as np

DIM = 32
NN = 20
B = 16384
N_ENT = 1000000
N_REL = 1000
N_USER = 100000


def setup_inputs(seed: int = 0) -> dict:
    key = jax.random.key(seed)
    ks = jax.random.split(key, 9)
    pairs = jax.random.randint(ks[0], (B, 2), 0, 100000)
    label = jax.random.uniform(ks[1], (B,), dtype=jnp.float32)
    neighbor_relations = jax.random.randint(ks[2], (B, NN), 0, N_REL)
    neighbor_tails = jax.random.randint(ks[3], (B, NN), 0, N_ENT)
    user_mat = jax.random.normal(ks[4], (N_USER, DIM), dtype=jnp.float32) * 0.01
    entity_mat = jax.random.normal(ks[5], (N_ENT, DIM), dtype=jnp.float32) * 0.01
    relation_mat = jax.random.normal(ks[6], (N_REL, DIM), dtype=jnp.float32) * 0.08
    W = jax.random.normal(ks[7], (DIM, 2 * NN * DIM), dtype=jnp.float32) * 0.02
    b = jnp.zeros((DIM,), dtype=jnp.float32)
    return {
        "pairs": pairs,
        "label": label,
        "neighbor_relations": neighbor_relations,
        "neighbor_tails": neighbor_tails,
        "user_mat": user_mat,
        "entity_mat": entity_mat,
        "relation_mat": relation_mat,
        "W": W,
        "b": b,
    }


def _bce(p, y):
    p = jnp.clip(p, 1e-7, 1.0 - 1e-7)
    return jnp.mean(-(y * jnp.log(p) + (1.0 - y) * jnp.log1p(-p)))


def reference(pairs, label, neighbor_relations, neighbor_tails, user_mat, entity_mat, relation_mat, W, b):
    users = pairs[:, 0]
    items = pairs[:, 1]
    user_embeddings = jnp.take(user_mat, users, axis=0)
    item_embeddings = jnp.take(entity_mat, items, axis=0)
    predict = jax.nn.sigmoid(jnp.sum(user_embeddings * item_embeddings, axis=1))
    # get_false_item: gather neighbor relation/tail embeddings, generator MLP
    relation_embeddings = jnp.take(relation_mat, neighbor_relations, axis=0)  # [B, NN, DIM]
    tail_embeddings = jnp.take(entity_mat, neighbor_tails, axis=0)  # [B, NN, DIM]
    t_r = jnp.concatenate([relation_embeddings, tail_embeddings], axis=-1).reshape(-1, 2 * NN * DIM)
    false_item = jax.nn.sigmoid(t_r @ W.T + b)  # Generator: sigmoid(Linear)
    false_predict = jax.nn.sigmoid(jnp.sum(user_embeddings * false_item, axis=1))
    return _bce(predict, label) + _bce(false_predict, label)

if __name__ == "__main__":
    import jax
    _d = setup_inputs()
    print(jax.jit(kernel)(*tuple(_d.values())))

</pallas_src>

<mosaic_0001>
#map = affine_map<(d0, d1) -> (0, 0)>
module attributes {stable_mosaic.version = 14 : i64} {
  func.func @sc_rel_user(%arg0: i32, %arg1: i32, %arg2: memref<16384x20xi32, #tpu.memory_space<hbm>>, %arg3: memref<16384x2xi32, #tpu.memory_space<hbm>>, %arg4: memref<1000x32xf32, #tpu.memory_space<hbm>>, %arg5: memref<114688x32xf32, #tpu.memory_space<hbm>>, %arg6: memref<327680x32xf32, #tpu.memory_space<hbm>>, %arg7: memref<16384x32xf32, #tpu.memory_space<hbm>>, %arg8: memref<512x20xi32, #tpu.memory_space<vmem>>, %arg9: memref<512x2xi32, #tpu.memory_space<vmem>>, %arg10: memref<1280xi32, #tpu.memory_space<vmem>>, %arg11: memref<1280x32xf32, #tpu.memory_space<vmem>>, %arg12: memref<!tpu.dma_semaphore, #tpu.memory_space<semaphore_mem>>) attributes {dimension_semantics = [#tpu.dimension_semantics<core_parallel>, #tpu.dimension_semantics<subcore_parallel>], iteration_bounds = array<i64: 2, 16>, scalar_prefetch = 0 : i64, scratch_operands = 5 : i64, tpu.core_type = #tpu.core_type<sc_vector_subcore>, window_params = [{transform_indices = #map}, {transform_indices = #map}, {transform_indices = #map}, {transform_indices = #map}, {transform_indices = #map}, {transform_indices = #map}]} {
    %mul3A = arith.constant 2 : i32
    %mul3A_0 = arith.muli %arg1, %mul3A : i32
    %add3A = arith.addi %mul3A_0, %arg0 : i32
    %iota3A = tpu.iota {dimensions = array<i32: 0>} : vector<16xi32>
    %mul3A_1 = arith.constant 512 : i32
    %mul3A_2 = arith.muli %add3A, %mul3A_1 : i32
    "tpu.region"() ({
      %run_scoped3A = tpu.sem_alloc : memref<!tpu.dma_semaphore, #tpu.memory_space<semaphore_mem>>
      %dma_start3A_78 = arith.constant 0 : i32
      %dma_start3A_79 = tpu.memref_slice %arg2[%mul3A_2, %dma_start3A_78] : memref<16384x20xi32, #tpu.memory_space<hbm>> -> memref<512x20xi32, #tpu.memory_space<hbm>>
      %dma_start3A_80 = arith.constant 0 : i32
      %dma_start3A_81 = tpu.memref_slice %arg2[%mul3A_2, %dma_start3A_80] : memref<16384x20xi32, #tpu.memory_space<hbm>> -> memref<512x20xi32, #tpu.memory_space<hbm>>
      tpu.enqueue_dma source(%dma_start3A_81 : memref<512x20xi32, #tpu.memory_space<hbm>>) target(%arg8 : memref<512x20xi32, #tpu.memory_space<vmem>>) target_semaphore(%run_scoped3A : memref<!tpu.dma_semaphore, #tpu.memory_space<semaphore_mem>>)
      %dma_wait3A_82 = arith.constant 0 : i32
      %dma_wait3A_83 = tpu.memref_slice %arg2[%mul3A_2, %dma_wait3A_82] : memref<16384x20xi32, #tpu.memory_space<hbm>> -> memref<512x20xi32, #tpu.memory_space<hbm>>
      %dma_wait3A_84 = arith.constant 0 : i32
      %dma_wait3A_85 = tpu.memref_slice %arg2[%mul3A_2, %dma_wait3A_84] : memref<16384x20xi32, #tpu.memory_space<hbm>> -> memref<512x20xi32, #tpu.memory_space<hbm>>
      tpu.wait_dma2 semaphore(%run_scoped3A : memref<!tpu.dma_semaphore, #tpu.memory_space<semaphore_mem>>) src(%dma_wait3A_85 : memref<512x20xi32, #tpu.memory_space<hbm>>) dst(%arg8 : memref<512x20xi32, #tpu.memory_space<vmem>>)
      tpu.yield
    }) : () -> ()
    %scan3A = arith.constant 0 : i32
    %scan3A_3 = arith.constant 8 : i32
    %scan3A_4 = arith.addi %scan3A, %scan3A_3 : i32
    %scan3A_5 = arith.constant 1 : i32
    scf.for %scan3A_78 = %scan3A to %scan3A_4 step %scan3A_5  : i32 {
      %scan3A_79 = arith.constant 0 : i32
      %scan3A_80 = arith.constant 80 : i32
      %scan3A_81 = arith.addi %scan3A_79, %scan3A_80 : i32
      %scan3A_82 = arith.constant 1 : i32
      scf.for %scan3A_249 = %scan3A_79 to %scan3A_81 step %scan3A_82  : i32 {
        %mul3A_250 = arith.constant 1280 : i32
        %mul3A_251 = arith.muli %scan3A_78, %mul3A_250 : i32
        %mul3A_252 = arith.constant 16 : i32
        %mul3A_253 = arith.muli %scan3A_249, %mul3A_252 : i32
        %add3A_254 = arith.addi %mul3A_251, %mul3A_253 : i32
        %add3A_255 = vector.broadcast %add3A_254 : i32 to vector<16xi32>
        %add3A_256 = arith.addi %add3A_255, %iota3A : vector<16xi32>
        %and3A = arith.constant 3 : i32
        %and3A_257 = vector.broadcast %and3A : i32 to vector<16xi32>
        %and3A_258 = arith.andi %add3A_256, %and3A_257 : vector<16xi32>
        %shift_right_arithmetic3A = arith.constant 2 : i32
        %shift_right_arithmetic3A_259 = vector.broadcast %shift_right_arithmetic3A : i32 to vector<16xi32>
        %shift_right_arithmetic3A_260 = arith.shrsi %add3A_256, %shift_right_arithmetic3A_259 : vector<16xi32>
        %and3A_261 = arith.constant 7 : i32
        %and3A_262 = vector.broadcast %and3A_261 : i32 to vector<16xi32>
        %and3A_263 = arith.andi %shift_right_arithmetic3A_260, %and3A_262 : vector<16xi32>
        %shift_right_arithmetic3A_264 = arith.constant 5 : i32
        %shift_right_arithmetic3A_265 = vector.broadcast %shift_right_arithmetic3A_264 : i32 to vector<16xi32>
        %shift_right_arithmetic3A_266 = arith.shrsi %add3A_256, %shift_right_arithmetic3A_265 : vector<16xi32>
        %mul3A_267 = arith.constant 52429 : i32
        %mul3A_268 = vector.broadcast %mul3A_267 : i32 to vector<16xi32>
        %mul3A_269 = arith.muli %shift_right_arithmetic3A_266, %mul3A_268 : vector<16xi32>
        %shift_right_arithmetic3A_270 = arith.constant 18 : i32
        %shift_right_arithmetic3A_271 = vector.broadcast %shift_right_arithmetic3A_270 : i32 to vector<16xi32>
        %shift_right_arithmetic3A_272 = arith.shrsi %mul3A_269, %shift_right_arithmetic3A_271 : vector<16xi32>
        %mul3A_273 = arith.constant 5 : i32
        %mul3A_274 = vector.broadcast %mul3A_273 : i32 to vector<16xi32>
        %mul3A_275 = arith.muli %shift_right_arithmetic3A_272, %mul3A_274 : vector<16xi32>
        %sub3A = arith.subi %shift_right_arithmetic3A_266, %mul3A_275 : vector<16xi32>
        %mul3A_276 = arith.constant 8 : i32
        %mul3A_277 = vector.broadcast %mul3A_276 : i32 to vector<16xi32>
        %mul3A_278 = arith.muli %shift_right_arithmetic3A_272, %mul3A_277 : vector<16xi32>
        %add3A_279 = arith.addi %mul3A_278, %and3A_263 : vector<16xi32>
        %mul3A_280 = arith.constant 4 : i32
        %mul3A_281 = vector.broadcast %mul3A_280 : i32 to vector<16xi32>
        %mul3A_282 = arith.muli %sub3A, %mul3A_281 : vector<16xi32>
        %add3A_283 = arith.addi %mul3A_282, %and3A_258 : vector<16xi32>
        %gather3A = tpu.vector_load_idx %arg8[%add3A_279, %add3A_283] : memref<512x20xi32, #tpu.memory_space<vmem>>[vector<16xi32>, vector<16xi32>], vector<16xi32>,
        %mul3A_284 = arith.constant 16 : i32
        %mul3A_285 = arith.muli %scan3A_249, %mul3A_284 : i32
        %swap3A = arith.index_cast %mul3A_285 : i32 to index
        %swap3A_286 = tpu.vector_load %arg10[%swap3A] {strides = array<i32>} : memref<1280xi32, #tpu.memory_space<vmem>>, vector<16xi32>,
        tpu.vector_store %arg10[%swap3A], %gather3A {strides = array<i32>} : memref<1280xi32, #tpu.memory_space<vmem>>, vector<16xi32>,
      }
      %scan3A_83 = arith.constant 80 : i32
      %dma_start3A_84 = arith.constant 0 : i32
      %dma_start3A_85 = arith.constant 0 : i32
      %dma_start3A_86 = tpu.memref_slice %arg11[%dma_start3A_84, %dma_start3A_85] : memref<1280x32xf32, #tpu.memory_space<vmem>> -> memref<128x32xf32, #tpu.memory_space<vmem>>
      %dma_start3A_87 = arith.constant 0 : i32
      %dma_start3A_88 = tpu.memref_slice %arg10[%dma_start3A_87] : memref<1280xi32, #tpu.memory_space<vmem>> -> memref<128xi32, #tpu.memory_space<vmem>>
      %dma_start3A_89 = arith.constant 0 : i32
      %dma_start3A_90 = arith.constant 0 : i32
      %dma_start3A_91 = tpu.memref_slice %arg4[%dma_start3A_89, %dma_start3A_90] : memref<1000x32xf32, #tpu.memory_space<hbm>> -> memref<1000x32xf32, #tpu.memory_space<hbm>>
      tpu.enqueue_indirect_dma source(%dma_start3A_91 : memref<1000x32xf32, #tpu.memory_space<hbm>>) target(%dma_start3A_86 : memref<128x32xf32, #tpu.memory_space<vmem>>) offsets(%dma_start3A_88 : memref<128xi32, #tpu.memory_space<vmem>>) semaphore(%arg12 : memref<!tpu.dma_semaphore, #tpu.memory_space<semaphore_mem>>)
      %dma_start3A_92 = arith.constant 128 : i32
      %dma_start3A_93 = arith.constant 0 : i32
      %dma_start3A_94 = tpu.memref_slice %arg11[%dma_start3A_92, %dma_start3A_93] : memref<1280x32xf32, #tpu.memory_space<vmem>> -> memref<128x32xf32, #tpu.memory_space<vmem>>
      %dma_start3A_95 = arith.constant 128 : i32
      %dma_start3A_96 = tpu.memref_slice %arg10[%dma_start3A_95] : memref<1280xi32, #tpu.memory_space<vmem>> -> memref<128xi32, #tpu.memory_space<vmem>>
      %dma_start3A_97 = arith.constant 0 : i32
      %dma_start3A_98 = arith.constant 0 : i32
      %dma_start3A_99 = tpu.memref_slice %arg4[%dma_start3A_97, %dma_start3A_98] : memref<1000x32xf32, #tpu.memory_space<hbm>> -> memref<1000x32xf32, #tpu.memory_space<hbm>>
      tpu.enqueue_indirect_dma source(%dma_start3A_99 : memref<1000x32xf32, #tpu.memory_space<hbm>>) target(%dma_start3A_94 : memref<128x32xf32, #tpu.memory_space<vmem>>) offsets(%dma_start3A_96 : memref<128xi32, #tpu.memory_space<vmem>>) semaphore(%arg12 : memref<!tpu.dma_semaphore, #tpu.memory_space<semaphore_mem>>)
      %dma_start3A_100 = arith.constant 256 : i32
      %dma_start3A_101 = arith.constant 0 : i32
      %dma_start3A_102 = tpu.memref_slice %arg11[%dma_start3A_100, %dma_start3A_101] : memref<1280x32xf32, #tpu.memory_space<vmem>> -> memref<128x32xf32, #tpu.memory_space<vmem>>
      %dma_start3A_103 = arith.constant 256 : i32
      %dma_start3A_104 = tpu.memref_slice %arg10[%dma_start3A_103] : memref<1280xi32, #tpu.memory_space<vmem>> -> memref<128xi32, #tpu.memory_space<vmem>>
      %dma_start3A_105 = arith.constant 0 : i32
      %dma_start3A_106 = arith.constant 0 : i32
      %dma_start3A_107 = tpu.memref_slice %arg4[%dma_start3A_105, %dma_start3A_106] : memref<1000x32xf32, #tpu.memory_space<hbm>> -> memref<1000x32xf32, #tpu.memory_space<hbm>>
      tpu.enqueue_indirect_dma source(%dma_start3A_107 : memref<1000x32xf32, #tpu.memory_space<hbm>>) target(%dma_start3A_102 : memref<128x32xf32, #tpu.memory_space<vmem>>) offsets(%dma_start3A_104 : memref<128xi32, #tpu.memory_space<vmem>>) semaphore(%arg12 : memref<!tpu.dma_semaphore, #tpu.memory_space<semaphore_mem>>)
      %dma_start3A_108 = arith.constant 384 : i32
      %dma_start3A_109 = arith.constant 0 : i32
      %dma_start3A_110 = tpu.memref_slice %arg11[%dma_start3A_108, %dma_start3A_109] : memref<1280x32xf32, #tpu.memory_space<vmem>> -> memref<128x32xf32, #tpu.memory_space<vmem>>
      %dma_start3A_111 = arith.constant 384 : i32
      %dma_start3A_112 = tpu.memref_slice %arg10[%dma_start3A_111] : memref<1280xi32, #tpu.memory_space<vmem>> -> memref<128xi32, #tpu.memory_space<vmem>>
      %dma_start3A_113 = arith.constant 0 : i32
      %dma_start3A_114 = arith.constant 0 : i32
      %dma_start3A_115 = tpu.memref_slice %arg4[%dma_start3A_113, %dma_start3A_114] : memref<1000x32xf32, #tpu.memory_space<hbm>> -> memref<1000x32xf32, #tpu.memory_space<hbm>>
      tpu.enqueue_indirect_dma source(%dma_start3A_115 : memref<1000x32xf32, #tpu.memory_space<hbm>>) target(%dma_start3A_110 : memref<128x32xf32, #tpu.memory_space<vmem>>) offsets(%dma_start3A_112 : memref<128xi32, #tpu.memory_space<vmem>>) semaphore(%arg12 : memref<!tpu.dma_semaphore, #tpu.memory_space<semaphore_mem>>)
      %dma_start3A_116 = arith.constant 512 : i32
      %dma_start3A_117 = arith.constant 0 : i32
      %dma_start3A_118 = tpu.memref_slice %arg11[%dma_start3A_116, %dma_start3A_117] : memref<1280x32xf32, #tpu.memory_space<vmem>> -> memref<128x32xf32, #tpu.memory_space<vmem>>
      %dma_start3A_119 = arith.constant 512 : i32
      %dma_start3A_120 = tpu.memref_slice %arg10[%dma_start3A_119] : memref<1280xi32, #tpu.memory_space<vmem>> -> memref<128xi32, #tpu.memory_space<vmem>>
      %dma_start3A_121 = arith.constant 0 : i32
      %dma_start3A_122 = arith.constant 0 : i32
      %dma_start3A_123 = tpu.memref_slice %arg4[%dma_start3A_121, %dma_start3A_122] : memref<1000x32xf32, #tpu.memory_space<hbm>> -> memref<1000x32xf32, #tpu.memory_space<hbm>>
      tpu.enqueue_indirect_dma source(%dma_start3A_123 : memref<1000x32xf32, #tpu.memory_space<hbm>>) target(%dma_start3A_118 : memref<128x32xf32, #tpu.memory_space<vmem>>) offsets(%dma_start3A_120 : memref<128xi32, #tpu.memory_space<vmem>>) semaphore(%arg12 : memref<!tpu.dma_semaphore, #tpu.memory_space<semaphore_mem>>)
      %dma_start3A_124 = arith.constant 640 : i32
      %dma_start3A_125 = arith.constant 0 : i32
      %dma_start3A_126 = tpu.memref_slice %arg11[%dma_start3A_124, %dma_start3A_125] : memref<1280x32xf32, #tpu.memory_space<vmem>> -> memref<128x32xf32, #tpu.memory_space<vmem>>
      %dma_start3A_127 = arith.constant 640 : i32
      %dma_start3A_128 = tpu.memref_slice %arg10[%dma_start3A_127] : memref<1280xi32, #tpu.memory_space<vmem>> -> memref<128xi32, #tpu.memory_space<vmem>>
      %dma_start3A_129 = arith.constant 0 : i32
      %dma_start3A_130 = arith.constant 0 : i32
      %dma_start3A_131 = tpu.memref_slice %arg4[%dma_start3A_129, %dma_start3A_130] : memref<1000x32xf32, #tpu.memory_space<hbm>> -> memref<1000x32xf32, #tpu.memory_space<hbm>>
      tpu.enqueue_indirect_dma source(%dma_start3A_131 : memref<1000x32xf32, #tpu.memory_space<hbm>>) target(%dma_start3A_126 : memref<128x32xf32, #tpu.memory_space<vmem>>) offsets(%dma_start3A_128 : memref<128xi32, #tpu.memory_space<vmem>>) semaphore(%arg12 : memref<!tpu.dma_semaphore, #tpu.memory_space<semaphore_mem>>)
      %dma_start3A_132 = arith.constant 768 : i32
      %dma_start3A_133 = arith.constant 0 : i32
      %dma_start3A_134 = tpu.memref_slice %arg11[%dma_start3A_132, %dma_start3A_133] : memref<1280x32xf32, #tpu.memory_space<vmem>> -> memref<128x32xf32, #tpu.memory_space<vmem>>
      %dma_start3A_135 = arith.constant 768 : i32
      %dma_start3A_136 = tpu.memref_slice %arg10[%dma_start3A_135] : memref<1280xi32, #tpu.memory_space<vmem>> -> memref<128xi32, #tpu.memory_space<vmem>>
      %dma_start3A_137 = arith.constant 0 : i32
      %dma_start3A_138 = arith.constant 0 : i32
      %dma_start3A_139 = tpu.memref_slice %arg4[%dma_start3A_137, %dma_start3A_138] : memref<1000x32xf32, #tpu.memory_space<hbm>> -> memref<1000x32xf32, #tpu.memory_space<hbm>>
      tpu.enqueue_indirect_dma source(%dma_start3A_139 : memref<1000x32xf32, #tpu.memory_space<hbm>>) target(%dma_start3A_134 : memref<128x32xf32, #tpu.memory_space<vmem>>) offsets(%dma_start3A_136 : memref<128xi32, #tpu.memory_space<vmem>>) semaphore(%arg12 : memref<!tpu.dma_semaphore, #tpu.memory_space<semaphore_mem>>)
      %dma_start3A_140 = arith.constant 896 : i32
      %dma_start3A_141 = arith.constant 0 : i32
      %dma_start3A_142 = tpu.memref_slice %arg11[%dma_start3A_140, %dma_start3A_141] : memref<1280x32xf32, #tpu.memory_space<vmem>> -> memref<128x32xf32, #tpu.memory_space<vmem>>
      %dma_start3A_143 = arith.constant 896 : i32
      %dma_start3A_144 = tpu.memref_slice %arg10[%dma_start3A_143] : memref<1280xi32, #tpu.memory_space<vmem>> -> memref<128xi32, #tpu.memory_space<vmem>>
      %dma_start3A_145 = arith.constant 0 : i32
      %dma_start3A_146 = arith.constant 0 : i32
      %dma_start3A_147 = tpu.memref_slice %arg4[%dma_start3A_145, %dma_start3A_146] : memref<1000x32xf32, #tpu.memory_space<hbm>> -> memref<1000x32xf32, #tpu.memory_space<hbm>>
      tpu.enqueue_indirect_dma source(%dma_start3A_147 : memref<1000x32xf32, #tpu.memory_space<hbm>>) target(%dma_start3A_142 : memref<128x32xf32, #tpu.memory_space<vmem>>) offsets(%dma_start3A_144 : memref<128xi32, #tpu.memory_space<vmem>>) semaphore(%arg12 : memref<!tpu.dma_semaphore, #tpu.memory_space<semaphore_mem>>)
      %dma_start3A_148 = arith.constant 1024 : i32
      %dma_start3A_149 = arith.constant 0 : i32
      %dma_start3A_150 = tpu.memref_slice %arg11[%dma_start3A_148, %dma_start3A_149] : memref<1280x32xf32, #tpu.memory_space<vmem>> -> memref<128x32xf32, #tpu.memory_space<vmem>>
      %dma_start3A_151 = arith.constant 1024 : i32
      %dma_start3A_152 = tpu.memref_slice %arg10[%dma_start3A_151] : memref<1280xi32, #tpu.memory_space<vmem>> -> memref<128xi32, #tpu.memory_space<vmem>>
      %dma_start3A_153 = arith.constant 0 : i32
      %dma_start3A_154 = arith.constant 0 : i32
      %dma_start3A_155 = tpu.memref_slice %arg4[%dma_start3A_153, %dma_start3A_154] : memref<1000x32xf32, #tpu.memory_space<hbm>> -> memref<1000x32xf32, #tpu.memory_space<hbm>>
      tpu.enqueue_indirect_dma source(%dma_start3A_155 : memref<1000x32xf32, #tpu.memory_space<hbm>>) target(%dma_start3A_150 : memref<128x32xf32, #tpu.memory_space<vmem>>) offsets(%dma_start3A_152 : memref<128xi32, #tpu.memory_space<vmem>>) semaphore(%arg12 : memref<!tpu.dma_semaphore, #tpu.memory_space<semaphore_mem>>)
      %dma_start3A_156 = arith.constant 1152 : i32
      %dma_start3A_157 = arith.constant 0 : i32
      %dma_start3A_158 = tpu.memref_slice %arg11[%dma_start3A_156, %dma_start3A_157] : memref<1280x32xf32, #tpu.memory_space<vmem>> -> memref<128x32xf32, #tpu.memory_space<vmem>>
      %dma_start3A_159 = arith.constant 1152 : i32
      %dma_start3A_160 = tpu.memref_slice %arg10[%dma_start3A_159] : memref<1280xi32, #tpu.memory_space<vmem>> -> memref<128xi32, #tpu.memory_space<vmem>>
      %dma_start3A_161 = arith.constant 0 : i32
      %dma_start3A_162 = arith.constant 0 : i32
      %dma_start3A_163 = tpu.memref_slice %arg4[%dma_start3A_161, %dma_start3A_162] : memref<1000x32xf32, #tpu.memory_space<hbm>> -> memref<1000x32xf32, #tpu.memory_space<hbm>>
      tpu.enqueue_indirect_dma source(%dma_start3A_163 : memref<1000x32xf32, #tpu.memory_space<hbm>>) target(%dma_start3A_158 : memref<128x32xf32, #tpu.memory_space<vmem>>) offsets(%dma_start3A_160 : memref<128xi32, #tpu.memory_space<vmem>>) semaphore(%arg12 : memref<!tpu.dma_semaphore, #tpu.memory_space<semaphore_mem>>)
      %dma_wait3A_164 = arith.constant 0 : i32
      %dma_wait3A_165 = arith.constant 0 : i32
      %dma_wait3A_166 = tpu.memref_slice %arg11[%dma_wait3A_164, %dma_wait3A_165] : memref<1280x32xf32, #tpu.memory_space<vmem>> -> memref<128x32xf32, #tpu.memory_space<vmem>>
      %dma_wait3A_167 = arith.constant 0 : i32
      %dma_wait3A_168 = tpu.memref_slice %arg10[%dma_wait3A_167] : memref<1280xi32, #tpu.memory_space<vmem>> -> memref<128xi32, #tpu.memory_space<vmem>>
      %dma_wait3A_169 = arith.constant 0 : i32
      %dma_wait3A_170 = arith.constant 0 : i32
      %dma_wait3A_171 = tpu.memref_slice %arg4[%dma_wait3A_169, %dma_wait3A_170] : memref<1000x32xf32, #tpu.memory_space<hbm>> -> memref<1000x32xf32, #tpu.memory_space<hbm>>
      tpu.wait_indirect_dma semaphore(%arg12 : memref<!tpu.dma_semaphore, #tpu.memory_space<semaphore_mem>>) src(%dma_wait3A_171 : memref<1000x32xf32, #tpu.memory_space<hbm>>) dst(%dma_wait3A_166 : memref<128x32xf32, #tpu.memory_space<vmem>>)
      %dma_wait3A_172 = arith.constant 128 : i32
      %dma_wait3A_173 = arith.constant 0 : i32
      %dma_wait3A_174 = tpu.memref_slice %arg11[%dma_wait3A_172, %dma_wait3A_173] : memref<1280x32xf32, #tpu.memory_space<vmem>> -> memref<128x32xf32, #tpu.memory_space<vmem>>
      %dma_wait3A_175 = arith.constant 128 : i32
      %dma_wait3A_176 = tpu.memref_slice %arg10[%dma_wait3A_175] : memref<1280xi32, #tpu.memory_space<vmem>> -> memref<128xi32, #tpu.memory_space<vmem>>
      %dma_wait3A_177 = arith.constant 0 : i32
      %dma_wait3A_178 = arith.constant 0 : i32
      %dma_wait3A_179 = tpu.memref_slice %arg4[%dma_wait3A_177, %dma_wait3A_178] : memref<1000x32xf32, #tpu.memory_space<hbm>> -> memref<1000x32xf32, #tpu.memory_space<hbm>>
      tpu.wait_indirect_dma semaphore(%arg12 : memref<!tpu.dma_semaphore, #tpu.memory_space<semaphore_mem>>) src(%dma_wait3A_179 : memref<1000x32xf32, #tpu.memory_space<hbm>>) dst(%dma_wait3A_174 : memref<128x32xf32, #tpu.memory_space<vmem>>)
      %dma_wait3A_180 = arith.constant 256 : i32
      %dma_wait3A_181 = arith.constant 0 : i32
      %dma_wait3A_182 = tpu.memref_slice %arg11[%dma_wait3A_180, %dma_wait3A_181] : memref<1280x32xf32, #tpu.memory_space<vmem>> -> memref<128x32xf32, #tpu.memory_space<vmem>>
      %dma_wait3A_183 = arith.constant 256 : i32
      %dma_wait3A_184 = tpu.memref_slice %arg10[%dma_wait3A_183] : memref<1280xi32, #tpu.memory_space<vmem>> -> memref<128xi32, #tpu.memory_space<vmem>>
      %dma_wait3A_185 = arith.constant 0 : i32
      %dma_wait3A_186 = arith.constant 0 : i32
      %dma_wait3A_187 = tpu.memref_slice %arg4[%dma_wait3A_185, %dma_wait3A_186] : memref<1000x32xf32, #tpu.memory_space<hbm>> -> memref<1000x32xf32, #tpu.memory_space<hbm>>
      tpu.wait_indirect_dma semaphore(%arg12 : memref<!tpu.dma_semaphore, #tpu.memory_space<semaphore_mem>>) src(%dma_wait3A_187 : memref<1000x32xf32, #tpu.memory_space<hbm>>) dst(%dma_wait3A_182 : memref<128x32xf32, #tpu.memory_space<vmem>>)
      %dma_wait3A_188 = arith.constant 384 : i32
      %dma_wait3A_189 = arith.constant 0 : i32
      %dma_wait3A_190 = tpu.memref_slice %arg11[%dma_wait3A_188, %dma_wait3A_189] : memref<1280x32xf32, #tpu.memory_space<vmem>> -> memref<128x32xf32, #tpu.memory_space<vmem>>
      %dma_wait3A_191 = arith.constant 384 : i32
      %dma_wait3A_192 = tpu.memref_slice %arg10[%dma_wait3A_191] : memref<1280xi32, #tpu.memory_space<vmem>> -> memref<128xi32, #tpu.memory_space<vmem>>
      %dma_wait3A_193 = arith.constant 0 : i32
      %dma_wait3A_194 = arith.constant 0 : i32
      %dma_wait3A_195 = tpu.memref_slice %arg4[%dma_wait3A_193, %dma_wait3A_194] : memref<1000x32xf32, #tpu.memory_space<hbm>> -> memref<1000x32xf32, #tpu.memory_space<hbm>>
      tpu.wait_indirect_dma semaphore(%arg12 : memref<!tpu.dma_semaphore, #tpu.memory_space<semaphore_mem>>) src(%dma_wait3A_195 : memref<1000x32xf32, #tpu.memory_space<hbm>>) dst(%dma_wait3A_190 : memref<128x32xf32, #tpu.memory_space<vmem>>)
      %dma_wait3A_196 = arith.constant 512 : i32
      %dma_wait3A_197 = arith.constant 0 : i32
      %dma_wait3A_198 = tpu.memref_slice %arg11[%dma_wait3A_196, %dma_wait3A_197] : memref<1280x32xf32, #tpu.memory_space<vmem>> -> memref<128x32xf32, #tpu.memory_space<vmem>>
      %dma_wait3A_199 = arith.constant 512 : i32
      %dma_wait3A_200 = tpu.memref_slice %arg10[%dma_wait3A_199] : memref<1280xi32, #tpu.memory_space<vmem>> -> memref<128xi32, #tpu.memory_space<vmem>>
      %dma_wait3A_201 = arith.constant 0 : i32
      %dma_wait3A_202 = arith.constant 0 : i32
      %dma_wait3A_203 = tpu.memref_slice %arg4[%dma_wait3A_201, %dma_wait3A_202] : memref<1000x32xf32, #tpu.memory_space<hbm>> -> memref<1000x32xf32, #tpu.memory_space<hbm>>
      tpu.wait_indirect_dma semaphore(%arg12 : memref<!tpu.dma_semaphore, #tpu.memory_space<semaphore_mem>>) src(%dma_wait3A_203 : memref<1000x32xf32, #tpu.memory_space<hbm>>) dst(%dma_wait3A_198 : memref<128x32xf32, #tpu.memory_space<vmem>>)
      %dma_wait3A_204 = arith.constant 640 : i32
      %dma_wait3A_205 = arith.constant 0 : i32
      %dma_wait3A_206 = tpu.memref_slice %arg11[%dma_wait3A_204, %dma_wait3A_205] : memref<1280x32xf32, #tpu.memory_space<vmem>> -> memref<128x32xf32, #tpu.memory_space<vmem>>
      %dma_wait3A_207 = arith.constant 640 : i32
      %dma_wait3A_208 = tpu.memref_slice %arg10[%dma_wait3A_207] : memref<1280xi32, #tpu.memory_space<vmem>> -> memref<128xi32, #tpu.memory_space<vmem>>
      %dma_wait3A_209 = arith.constant 0 : i32
      %dma_wait3A_210 = arith.constant 0 : i32
      %dma_wait3A_211 = tpu.memref_slice %arg4[%dma_wait3A_209, %dma_wait3A_210] : memref<1000x32xf32, #tpu.memory_space<hbm>> -> memref<1000x32xf32, #tpu.memory_space<hbm>>
      tpu.wait_indirect_dma semaphore(%arg12 : memref<!tpu.dma_semaphore, #tpu.memory_space<semaphore_mem>>) src(%dma_wait3A_211 : memref<1000x32xf32, #tpu.memory_space<hbm>>) dst(%dma_wait3A_206 : memref<128x32xf32, #tpu.memory_space<vmem>>)
      %dma_wait3A_212 = arith.constant 768 : i32
      %dma_wait3A_213 = arith.constant 0 : i32
      %dma_wait3A_214 = tpu.memref_slice %arg11[%dma_wait3A_212, %dma_wait3A_213] : memref<1280x32xf32, #tpu.memory_space<vmem>> -> memref<128x32xf32, #tpu.memory_space<vmem>>
      %dma_wait3A_215 = arith.constant 768 : i32
      %dma_wait3A_216 = tpu.memref_slice %arg10[%dma_wait3A_215] : memref<1280xi32, #tpu.memory_space<vmem>> -> memref<128xi32, #tpu.memory_space<vmem>>
      %dma_wait3A_217 = arith.constant 0 : i32
      %dma_wait3A_218 = arith.constant 0 : i32
      %dma_wait3A_219 = tpu.memref_slice %arg4[%dma_wait3A_217, %dma_wait3A_218] : memref<1000x32xf32, #tpu.memory_space<hbm>> -> memref<1000x32xf32, #tpu.memory_space<hbm>>
      tpu.wait_indirect_dma semaphore(%arg12 : memref<!tpu.dma_semaphore, #tpu.memory_space<semaphore_mem>>) src(%dma_wait3A_219 : memref<1000x32xf32, #tpu.memory_space<hbm>>) dst(%dma_wait3A_214 : memref<128x32xf32, #tpu.memory_space<vmem>>)
      %dma_wait3A_220 = arith.constant 896 : i32
      %dma_wait3A_221 = arith.constant 0 : i32
      %dma_wait3A_222 = tpu.memref_slice %arg11[%dma_wait3A_220, %dma_wait3A_221] : memref<1280x32xf32, #tpu.memory_space<vmem>> -> memref<128x32xf32, #tpu.memory_space<vmem>>
      %dma_wait3A_223 = arith.constant 896 : i32
      %dma_wait3A_224 = tpu.memref_slice %arg10[%dma_wait3A_223] : memref<1280xi32, #tpu.memory_space<vmem>> -> memref<128xi32, #tpu.memory_space<vmem>>
      %dma_wait3A_225 = arith.constant 0 : i32
      %dma_wait3A_226 = arith.constant 0 : i32
      %dma_wait3A_227 = tpu.memref_slice %arg4[%dma_wait3A_225, %dma_wait3A_226] : memref<1000x32xf32, #tpu.memory_space<hbm>> -> memref<1000x32xf32, #tpu.memory_space<hbm>>
      tpu.wait_indirect_dma semaphore(%arg12 : memref<!tpu.dma_semaphore, #tpu.memory_space<semaphore_mem>>) src(%dma_wait3A_227 : memref<1000x32xf32, #tpu.memory_space<hbm>>) dst(%dma_wait3A_222 : memref<128x32xf32, #tpu.memory_space<vmem>>)
      %dma_wait3A_228 = arith.constant 1024 : i32
      %dma_wait3A_229 = arith.constant 0 : i32
      %dma_wait3A_230 = tpu.memref_slice %arg11[%dma_wait3A_228, %dma_wait3A_229] : memref<1280x32xf32, #tpu.memory_space<vmem>> -> memref<128x32xf32, #tpu.memory_space<vmem>>
      %dma_wait3A_231 = arith.constant 1024 : i32
      %dma_wait3A_232 = tpu.memref_slice %arg10[%dma_wait3A_231] : memref<1280xi32, #tpu.memory_space<vmem>> -> memref<128xi32, #tpu.memory_space<vmem>>
      %dma_wait3A_233 = arith.constant 0 : i32
      %dma_wait3A_234 = arith.constant 0 : i32
      %dma_wait3A_235 = tpu.memref_slice %arg4[%dma_wait3A_233, %dma_wait3A_234] : memref<1000x32xf32, #tpu.memory_space<hbm>> -> memref<1000x32xf32, #tpu.memory_space<hbm>>
      tpu.wait_indirect_dma semaphore(%arg12 : memref<!tpu.dma_semaphore, #tpu.memory_space<semaphore_mem>>) src(%dma_wait3A_235 : memref<1000x32xf32, #tpu.memory_space<hbm>>) dst(%dma_wait3A_230 : memref<128x32xf32, #tpu.memory_space<vmem>>)
      %dma_wait3A_236 = arith.constant 1152 : i32
      %dma_wait3A_237 = arith.constant 0 : i32
      %dma_wait3A_238 = tpu.memref_slice %arg11[%dma_wait3A_236, %dma_wait3A_237] : memref<1280x32xf32, #tpu.memory_space<vmem>> -> memref<128x32xf32, #tpu.memory_space<vmem>>
      %dma_wait3A_239 = arith.constant 1152 : i32
      %dma_wait3A_240 = tpu.memref_slice %arg10[%dma_wait3A_239] : memref<1280xi32, #tpu.memory_space<vmem>> -> memref<128xi32, #tpu.memory_space<vmem>>
      %dma_wait3A_241 = arith.constant 0 : i32
      %dma_wait3A_242 = arith.constant 0 : i32
      %dma_wait3A_243 = tpu.memref_slice %arg4[%dma_wait3A_241, %dma_wait3A_242] : memref<1000x32xf32, #tpu.memory_space<hbm>> -> memref<1000x32xf32, #tpu.memory_space<hbm>>
      tpu.wait_indirect_dma semaphore(%arg12 : memref<!tpu.dma_semaphore, #tpu.memory_space<semaphore_mem>>) src(%dma_wait3A_243 : memref<1000x32xf32, #tpu.memory_space<hbm>>) dst(%dma_wait3A_238 : memref<128x32xf32, #tpu.memory_space<vmem>>)
      %mul3A_244 = arith.constant 10240 : i32
      %mul3A_245 = arith.muli %add3A, %mul3A_244 : i32
      %mul3A_246 = arith.constant 1280 : i32
      %mul3A_247 = arith.muli %scan3A_78, %mul3A_246 : i32
      %add3A_248 = arith.addi %mul3A_245, %mul3A_247 : i32
      "tpu.region"() ({
        %run_scoped3A = tpu.sem_alloc : memref<!tpu.dma_semaphore, #tpu.memory_space<semaphore_mem>>
        %dma_start3A_249 = arith.constant 0 : i32
        %dma_start3A_250 = tpu.memref_slice %arg6[%add3A_248, %dma_start3A_249] : memref<327680x32xf32, #tpu.memory_space<hbm>> -> memref<1280x32xf32, #tpu.memory_space<hbm>>
        %dma_start3A_251 = arith.constant 0 : i32
        %dma_start3A_252 = tpu.memref_slice %arg6[%add3A_248, %dma_start3A_251] : memref<327680x32xf32, #tpu.memory_space<hbm>> -> memref<1280x32xf32, #tpu.memory_space<hbm>>
        tpu.enqueue_dma source(%arg11 : memref<1280x32xf32, #tpu.memory_space<vmem>>) target(%dma_start3A_252 : memref<1280x32xf32, #tpu.memory_space<hbm>>) target_semaphore(%run_scoped3A : memref<!tpu.dma_semaphore, #tpu.memory_space<semaphore_mem>>)
        %dma_wait3A_253 = arith.constant 0 : i32
        %dma_wait3A_254 = tpu.memref_slice %arg6[%add3A_248, %dma_wait3A_253] : memref<327680x32xf32, #tpu.memory_space<hbm>> -> memref<1280x32xf32, #tpu.memory_space<hbm>>
        %dma_wait3A_255 = arith.constant 0 : i32
        %dma_wait3A_256 = tpu.memref_slice %arg6[%add3A_248, %dma_wait3A_255] : memref<327680x32xf32, #tpu.memory_space<hbm>> -> memref<1280x32xf32, #tpu.memory_space<hbm>>
        tpu.wait_dma2 semaphore(%run_scoped3A : memref<!tpu.dma_semaphore, #tpu.memory_space<semaphore_mem>>) src(%arg11 : memref<1280x32xf32, #tpu.memory_space<vmem>>) dst(%dma_wait3A_256 : memref<1280x32xf32, #tpu.memory_space<hbm>>)
        tpu.yield
      }) : () -> ()
    }
    %scan3A_6 = arith.constant 8 : i32
    %mul3A_7 = arith.constant 512 : i32
    %mul3A_8 = arith.muli %add3A, %mul3A_7 : i32
    "tpu.region"() ({
      %run_scoped3A = tpu.sem_alloc : memref<!tpu.dma_semaphore, #tpu.memory_space<semaphore_mem>>
      %dma_start3A_78 = arith.constant 0 : i32
      %dma_start3A_79 = tpu.memref_slice %arg3[%mul3A_8, %dma_start3A_78] : memref<16384x2xi32, #tpu.memory_space<hbm>> -> memref<512x2xi32, #tpu.memory_space<hbm>>
      %dma_start3A_80 = arith.constant 0 : i32
      %dma_start3A_81 = tpu.memref_slice %arg3[%mul3A_8, %dma_start3A_80] : memref<16384x2xi32, #tpu.memory_space<hbm>> -> memref<512x2xi32, #tpu.memory_space<hbm>>
      tpu.enqueue_dma source(%dma_start3A_81 : memref<512x2xi32, #tpu.memory_space<hbm>>) target(%arg9 : memref<512x2xi32, #tpu.memory_space<vmem>>) target_semaphore(%run_scoped3A : memref<!tpu.dma_semaphore, #tpu.memory_space<semaphore_mem>>)
      %dma_wait3A_82 = arith.constant 0 : i32
      %dma_wait3A_83 = tpu.memref_slice %arg3[%mul3A_8, %dma_wait3A_82] : memref<16384x2xi32, #tpu.memory_space<hbm>> -> memref<512x2xi32, #tpu.memory_space<hbm>>
      %dma_wait3A_84 = arith.constant 0 : i32
      %dma_wait3A_85 = tpu.memref_slice %arg3[%mul3A_8, %dma_wait3A_84] : memref<16384x2xi32, #tpu.memory_space<hbm>> -> memref<512x2xi32, #tpu.memory_space<hbm>>
      tpu.wait_dma2 semaphore(%run_scoped3A : memref<!tpu.dma_semaphore, #tpu.memory_space<semaphore_mem>>) src(%dma_wait3A_85 : memref<512x2xi32, #tpu.memory_space<hbm>>) dst(%arg9 : memref<512x2xi32, #tpu.memory_space<vmem>>)
      tpu.yield
    }) : () -> ()
    %scan3A_9 = arith.constant 0 : i32
    %scan3A_10 = arith.constant 32 : i32
    %scan3A_11 = arith.addi %scan3A_9, %scan3A_10 : i32
    %scan3A_12 = arith.constant 1 : i32
    scf.for %scan3A_78 = %scan3A_9 to %scan3A_11 step %scan3A_12  : i32 {
      %mul3A_79 = arith.constant 16 : i32
      %mul3A_80 = arith.muli %scan3A_78, %mul3A_79 : i32
      %add3A_81 = vector.broadcast %mul3A_80 : i32 to vector<16xi32>
      %add3A_82 = arith.addi %add3A_81, %iota3A : vector<16xi32>
      %broadcast_in_dim3A = arith.constant 0 : i32
      %broadcast_in_dim3A_83 = vector.broadcast %broadcast_in_dim3A : i32 to vector<16xi32>
      %gather3A = tpu.vector_load_idx %arg9[%add3A_82, %broadcast_in_dim3A_83] : memref<512x2xi32, #tpu.memory_space<vmem>>[vector<16xi32>, vector<16xi32>], vector<16xi32>,
      %shift_right_arithmetic3A = arith.constant 14 : i32
      %shift_right_arithmetic3A_84 = vector.broadcast %shift_right_arithmetic3A : i32 to vector<16xi32>
      %shift_right_arithmetic3A_85 = arith.shrsi %gather3A, %shift_right_arithmetic3A_84 : vector<16xi32>
      %shift_left3A = arith.constant 14 : i32
      %shift_left3A_86 = vector.broadcast %shift_left3A : i32 to vector<16xi32>
      %shift_left3A_87 = arith.shli %shift_right_arithmetic3A_85, %shift_left3A_86 : vector<16xi32>
      %and3A = arith.constant 4095 : i32
      %and3A_88 = vector.broadcast %and3A : i32 to vector<16xi32>
      %and3A_89 = arith.andi %gather3A, %and3A_88 : vector<16xi32>
      %shift_left3A_90 = arith.constant 2 : i32
      %shift_left3A_91 = vector.broadcast %shift_left3A_90 : i32 to vector<16xi32>
      %shift_left3A_92 = arith.shli %and3A_89, %shift_left3A_91 : vector<16xi32>
      %or3A = arith.ori %shift_left3A_87, %shift_left3A_92 : vector<16xi32>
      %shift_right_arithmetic3A_93 = arith.constant 12 : i32
      %shift_right_arithmetic3A_94 = vector.broadcast %shift_right_arithmetic3A_93 : i32 to vector<16xi32>
      %shift_right_arithmetic3A_95 = arith.shrsi %gather3A, %shift_right_arithmetic3A_94 : vector<16xi32>
      %and3A_96 = arith.constant 3 : i32
      %and3A_97 = vector.broadcast %and3A_96 : i32 to vector<16xi32>
      %and3A_98 = arith.andi %shift_right_arithmetic3A_95, %and3A_97 : vector<16xi32>
      %or3A_99 = arith.ori %or3A, %and3A_98 : vector<16xi32>
      %mul3A_100 = arith.constant 16 : i32
      %mul3A_101 = arith.muli %scan3A_78, %mul3A_100 : i32
      %swap3A = arith.index_cast %mul3A_101 : i32 to index
      %swap3A_102 = tpu.vector_load %arg10[%swap3A] {strides = array<i32>} : memref<1280xi32, #tpu.memory_space<vmem>>, vector<16xi32>,
      tpu.vector_store %arg10[%swap3A], %or3A_99 {strides = array<i32>} : memref<1280xi32, #tpu.memory_space<vmem>>, vector<16xi32>,
    }
    %scan3A_13 = arith.constant 32 : i32
    %dma_start3A = arith.constant 0 : i32
    %dma_start3A_14 = arith.constant 0 : i32
    %dma_start3A_15 = tpu.memref_slice %arg11[%dma_start3A, %dma_start3A_14] : memref<1280x32xf32, #tpu.memory_space<vmem>> -> memref<128x32xf32, #tpu.memory_space<vmem>>
    %dma_start3A_16 = arith.constant 0 : i32
    %dma_start3A_17 = tpu.memref_slice %arg10[%dma_start3A_16] : memref<1280xi32, #tpu.memory_space<vmem>> -> memref<128xi32, #tpu.memory_space<vmem>>
    %dma_start3A_18 = arith.constant 0 : i32
    %dma_start3A_19 = arith.constant 0 : i32
    %dma_start3A_20 = tpu.memref_slice %arg5[%dma_start3A_18, %dma_start3A_19] : memref<114688x32xf32, #tpu.memory_space<hbm>> -> memref<114688x32xf32, #tpu.memory_space<hbm>>
    tpu.enqueue_indirect_dma source(%dma_start3A_20 : memref<114688x32xf32, #tpu.memory_space<hbm>>) target(%dma_start3A_15 : memref<128x32xf32, #tpu.memory_space<vmem>>) offsets(%dma_start3A_17 : memref<128xi32, #tpu.memory_space<vmem>>) semaphore(%arg12 : memref<!tpu.dma_semaphore, #tpu.memory_space<semaphore_mem>>)
    %dma_start3A_21 = arith.constant 128 : i32
    %dma_start3A_22 = arith.constant 0 : i32
    %dma_start3A_23 = tpu.memref_slice %arg11[%dma_start3A_21, %dma_start3A_22] : memref<1280x32xf32, #tpu.memory_space<vmem>> -> memref<128x32xf32, #tpu.memory_space<vmem>>
    %dma_start3A_24 = arith.constant 128 : i32
    %dma_start3A_25 = tpu.memref_slice %arg10[%dma_start3A_24] : memref<1280xi32, #tpu.memory_space<vmem>> -> memref<128xi32, #tpu.memory_space<vmem>>
    %dma_start3A_26 = arith.constant 0 : i32
    %dma_start3A_27 = arith.constant 0 : i32
    %dma_start3A_28 = tpu.memref_slice %arg5[%dma_start3A_26, %dma_start3A_27] : memref<114688x32xf32, #tpu.memory_space<hbm>> -> memref<114688x32xf32, #tpu.memory_space<hbm>>
    tpu.enqueue_indirect_dma source(%dma_start3A_28 : memref<114688x32xf32, #tpu.memory_space<hbm>>) target(%dma_start3A_23 : memref<128x32xf32, #tpu.memory_space<vmem>>) offsets(%dma_start3A_25 : memref<128xi32, #tpu.memory_space<vmem>>) semaphore(%arg12 : memref<!tpu.dma_semaphore, #tpu.memory_space<semaphore_mem>>)
    %dma_start3A_29 = arith.constant 256 : i32
    %dma_start3A_30 = arith.constant 0 : i32
    %dma_start3A_31 = tpu.memref_slice %arg11[%dma_start3A_29, %dma_start3A_30] : memref<1280x32xf32, #tpu.memory_space<vmem>> -> memref<128x32xf32, #tpu.memory_space<vmem>>
    %dma_start3A_32 = arith.constant 256 : i32
    %dma_start3A_33 = tpu.memref_slice %arg10[%dma_start3A_32] : memref<1280xi32, #tpu.memory_space<vmem>> -> memref<128xi32, #tpu.memory_space<vmem>>
    %dma_start3A_34 = arith.constant 0 : i32
    %dma_start3A_35 = arith.constant 0 : i32
    %dma_start3A_36 = tpu.memref_slice %arg5[%dma_start3A_34, %dma_start3A_35] : memref<114688x32xf32, #tpu.memory_space<hbm>> -> memref<114688x32xf32, #tpu.memory_space<hbm>>
    tpu.enqueue_indirect_dma source(%dma_start3A_36 : memref<114688x32xf32, #tpu.memory_space<hbm>>) target(%dma_start3A_31 : memref<128x32xf32, #tpu.memory_space<vmem>>) offsets(%dma_start3A_33 : memref<128xi32, #tpu.memory_space<vmem>>) semaphore(%arg12 : memref<!tpu.dma_semaphore, #tpu.memory_space<semaphore_mem>>)
    %dma_start3A_37 = arith.constant 384 : i32
    %dma_start3A_38 = arith.constant 0 : i32
    %dma_start3A_39 = tpu.memref_slice %arg11[%dma_start3A_37, %dma_start3A_38] : memref<1280x32xf32, #tpu.memory_space<vmem>> -> memref<128x32xf32, #tpu.memory_space<vmem>>
    %dma_start3A_40 = arith.constant 384 : i32
    %dma_start3A_41 = tpu.memref_slice %arg10[%dma_start3A_40] : memref<1280xi32, #tpu.memory_space<vmem>> -> memref<128xi32, #tpu.memory_space<vmem>>
    %dma_start3A_42 = arith.constant 0 : i32
    %dma_start3A_43 = arith.constant 0 : i32
    %dma_start3A_44 = tpu.memref_slice %arg5[%dma_start3A_42, %dma_start3A_43] : memref<114688x32xf32, #tpu.memory_space<hbm>> -> memref<114688x32xf32, #tpu.memory_space<hbm>>
    tpu.enqueue_indirect_dma source(%dma_start3A_44 : memref<114688x32xf32, #tpu.memory_space<hbm>>) target(%dma_start3A_39 : memref<128x32xf32, #tpu.memory_space<vmem>>) offsets(%dma_start3A_41 : memref<128xi32, #tpu.memory_space<vmem>>) semaphore(%arg12 : memref<!tpu.dma_semaphore, #tpu.memory_space<semaphore_mem>>)
    %dma_wait3A = arith.constant 0 : i32
    %dma_wait3A_45 = arith.constant 0 : i32
    %dma_wait3A_46 = tpu.memref_slice %arg11[%dma_wait3A, %dma_wait3A_45] : memref<1280x32xf32, #tpu.memory_space<vmem>> -> memref<128x32xf32, #tpu.memory_space<vmem>>
    %dma_wait3A_47 = arith.constant 0 : i32
    %dma_wait3A_48 = tpu.memref_slice %arg10[%dma_wait3A_47] : memref<1280xi32, #tpu.memory_space<vmem>> -> memref<128xi32, #tpu.memory_space<vmem>>
    %dma_wait3A_49 = arith.constant 0 : i32
    %dma_wait3A_50 = arith.constant 0 : i32
    %dma_wait3A_51 = tpu.memref_slice %arg5[%dma_wait3A_49, %dma_wait3A_50] : memref<114688x32xf32, #tpu.memory_space<hbm>> -> memref<114688x32xf32, #tpu.memory_space<hbm>>
    tpu.wait_indirect_dma semaphore(%arg12 : memref<!tpu.dma_semaphore, #tpu.memory_space<semaphore_mem>>) src(%dma_wait3A_51 : memref<114688x32xf32, #tpu.memory_space<hbm>>) dst(%dma_wait3A_46 : memref<128x32xf32, #tpu.memory_space<vmem>>)
    %dma_wait3A_52 = arith.constant 128 : i32
    %dma_wait3A_53 = arith.constant 0 : i32
    %dma_wait3A_54 = tpu.memref_slice %arg11[%dma_wait3A_52, %dma_wait3A_53] : memref<1280x32xf32, #tpu.memory_space<vmem>> -> memref<128x32xf32, #tpu.memory_space<vmem>>
    %dma_wait3A_55 = arith.constant 128 : i32
    %dma_wait3A_56 = tpu.memref_slice %arg10[%dma_wait3A_55] : memref<1280xi32, #tpu.memory_space<vmem>> -> memref<128xi32, #tpu.memory_space<vmem>>
    %dma_wait3A_57 = arith.constant 0 : i32
    %dma_wait3A_58 = arith.constant 0 : i32
    %dma_wait3A_59 = tpu.memref_slice %arg5[%dma_wait3A_57, %dma_wait3A_58] : memref<114688x32xf32, #tpu.memory_space<hbm>> -> memref<114688x32xf32, #tpu.memory_space<hbm>>
    tpu.wait_indirect_dma semaphore(%arg12 : memref<!tpu.dma_semaphore, #tpu.memory_space<semaphore_mem>>) src(%dma_wait3A_59 : memref<114688x32xf32, #tpu.memory_space<hbm>>) dst(%dma_wait3A_54 : memref<128x32xf32, #tpu.memory_space<vmem>>)
    %dma_wait3A_60 = arith.constant 256 : i32
    %dma_wait3A_61 = arith.constant 0 : i32
    %dma_wait3A_62 = tpu.memref_slice %arg11[%dma_wait3A_60, %dma_wait3A_61] : memref<1280x32xf32, #tpu.memory_space<vmem>> -> memref<128x32xf32, #tpu.memory_space<vmem>>
    %dma_wait3A_63 = arith.constant 256 : i32
    %dma_wait3A_64 = tpu.memref_slice %arg10[%dma_wait3A_63] : memref<1280xi32, #tpu.memory_space<vmem>> -> memref<128xi32, #tpu.memory_space<vmem>>
    %dma_wait3A_65 = arith.constant 0 : i32
    %dma_wait3A_66 = arith.constant 0 : i32
    %dma_wait3A_67 = tpu.memref_slice %arg5[%dma_wait3A_65, %dma_wait3A_66] : memref<114688x32xf32, #tpu.memory_space<hbm>> -> memref<114688x32xf32, #tpu.memory_space<hbm>>
    tpu.wait_indirect_dma semaphore(%arg12 : memref<!tpu.dma_semaphore, #tpu.memory_space<semaphore_mem>>) src(%dma_wait3A_67 : memref<114688x32xf32, #tpu.memory_space<hbm>>) dst(%dma_wait3A_62 : memref<128x32xf32, #tpu.memory_space<vmem>>)
    %dma_wait3A_68 = arith.constant 384 : i32
    %dma_wait3A_69 = arith.constant 0 : i32
    %dma_wait3A_70 = tpu.memref_slice %arg11[%dma_wait3A_68, %dma_wait3A_69] : memref<1280x32xf32, #tpu.memory_space<vmem>> -> memref<128x32xf32, #tpu.memory_space<vmem>>
    %dma_wait3A_71 = arith.constant 384 : i32
    %dma_wait3A_72 = tpu.memref_slice %arg10[%dma_wait3A_71] : memref<1280xi32, #tpu.memory_space<vmem>> -> memref<128xi32, #tpu.memory_space<vmem>>
    %dma_wait3A_73 = arith.constant 0 : i32
    %dma_wait3A_74 = arith.constant 0 : i32
    %dma_wait3A_75 = tpu.memref_slice %arg5[%dma_wait3A_73, %dma_wait3A_74] : memref<114688x32xf32, #tpu.memory_space<hbm>> -> memref<114688x32xf32, #tpu.memory_space<hbm>>
    tpu.wait_indirect_dma semaphore(%arg12 : memref<!tpu.dma_semaphore, #tpu.memory_space<semaphore_mem>>) src(%dma_wait3A_75 : memref<114688x32xf32, #tpu.memory_space<hbm>>) dst(%dma_wait3A_70 : memref<128x32xf32, #tpu.memory_space<vmem>>)
    %mul3A_76 = arith.constant 512 : i32
    %mul3A_77 = arith.muli %add3A, %mul3A_76 : i32
    "tpu.region"() ({
      %run_scoped3A = tpu.sem_alloc : memref<!tpu.dma_semaphore, #tpu.memory_space<semaphore_mem>>
      %dma_start3A_78 = arith.constant 0 : i32
      %dma_start3A_79 = arith.constant 0 : i32
      %dma_start3A_80 = tpu.memref_slice %arg11[%dma_start3A_78, %dma_start3A_79] : memref<1280x32xf32, #tpu.memory_space<vmem>> -> memref<512x32xf32, #tpu.memory_space<vmem>>
      %dma_start3A_81 = arith.constant 0 : i32
      %dma_start3A_82 = tpu.memref_slice %arg7[%mul3A_77, %dma_start3A_81] : memref<16384x32xf32, #tpu.memory_space<hbm>> -> memref<512x32xf32, #tpu.memory_space<hbm>>
      %dma_start3A_83 = arith.constant 0 : i32
      %dma_start3A_84 = tpu.memref_slice %arg7[%mul3A_77, %dma_start3A_83] : memref<16384x32xf32, #tpu.memory_space<hbm>> -> memref<512x32xf32, #tpu.memory_space<hbm>>
      %dma_start3A_85 = arith.constant 0 : i32
      %dma_start3A_86 = arith.constant 0 : i32
      %dma_start3A_87 = tpu.memref_slice %arg11[%dma_start3A_85, %dma_start3A_86] : memref<1280x32xf32, #tpu.memory_space<vmem>> -> memref<512x32xf32, #tpu.memory_space<vmem>>
      tpu.enqueue_dma source(%dma_start3A_87 : memref<512x32xf32, #tpu.memory_space<vmem>>) target(%dma_start3A_84 : memref<512x32xf32, #tpu.memory_space<hbm>>) target_semaphore(%run_scoped3A : memref<!tpu.dma_semaphore, #tpu.memory_space<semaphore_mem>>)
      %dma_wait3A_88 = arith.constant 0 : i32
      %dma_wait3A_89 = arith.constant 0 : i32
      %dma_wait3A_90 = tpu.memref_slice %arg11[%dma_wait3A_88, %dma_wait3A_89] : memref<1280x32xf32, #tpu.memory_space<vmem>> -> memref<512x32xf32, #tpu.memory_space<vmem>>
      %dma_wait3A_91 = arith.constant 0 : i32
      %dma_wait3A_92 = tpu.memref_slice %arg7[%mul3A_77, %dma_wait3A_91] : memref<16384x32xf32, #tpu.memory_space<hbm>> -> memref<512x32xf32, #tpu.memory_space<hbm>>
      %dma_wait3A_93 = arith.constant 0 : i32
      %dma_wait3A_94 = tpu.memref_slice %arg7[%mul3A_77, %dma_wait3A_93] : memref<16384x32xf32, #tpu.memory_space<hbm>> -> memref<512x32xf32, #tpu.memory_space<hbm>>
      %dma_wait3A_95 = arith.constant 0 : i32
      %dma_wait3A_96 = arith.constant 0 : i32
      %dma_wait3A_97 = tpu.memref_slice %arg11[%dma_wait3A_95, %dma_wait3A_96] : memref<1280x32xf32, #tpu.memory_space<vmem>> -> memref<512x32xf32, #tpu.memory_space<vmem>>
      tpu.wait_dma2 semaphore(%run_scoped3A : memref<!tpu.dma_semaphore, #tpu.memory_space<semaphore_mem>>) src(%dma_wait3A_97 : memref<512x32xf32, #tpu.memory_space<vmem>>) dst(%dma_wait3A_94 : memref<512x32xf32, #tpu.memory_space<hbm>>)
      tpu.yield
    }) : () -> ()
    return
  }
}

#map = affine_map<(d0, d1) -> (0, 0)>
module attributes {stable_mosaic.version = 14 : i64} {
  func.func @sc_tail_item(%arg0: i32, %arg1: i32, %arg2: memref<16384x20xi32, #tpu.memory_space<hbm>>, %arg3: memref<16384x2xi32, #tpu.memory_space<hbm>>, %arg4: memref<1015808x32xf32, #tpu.memory_space<hbm>>, %arg5: memref<1015808x32xf32, #tpu.memory_space<hbm>>, %arg6: memref<327680x32xf32, #tpu.memory_space<hbm>>, %arg7: memref<16384x32xf32, #tpu.memory_space<hbm>>, %arg8: memref<512x20xi32, #tpu.memory_space<vmem>>, %arg9: memref<512x2xi32, #tpu.memory_space<vmem>>, %arg10: memref<1280xi32, #tpu.memory_space<vmem>>, %arg11: memref<1280x32xf32, #tpu.memory_space<vmem>>, %arg12: memref<!tpu.dma_semaphore, #tpu.memory_space<semaphore_mem>>) attributes {dimension_semantics = [#tpu.dimension_semantics<core_parallel>, #tpu.dimension_semantics<subcore_parallel>], iteration_bounds = array<i64: 2, 16>, scalar_prefetch = 0 : i64, scratch_operands = 5 : i64, tpu.core_type = #tpu.core_type<sc_vector_subcore>, window_params = [{transform_indices = #map}, {transform_indices = #map}, {transform_indices = #map}, {transform_indices = #map}, {transform_indices = #map}, {transform_indices = #map}]} {
    %mul3A = arith.constant 2 : i32
    %mul3A_0 = arith.muli %arg1, %mul3A : i32
    %add3A = arith.addi %mul3A_0, %arg0 : i32
    %iota3A = tpu.iota {dimensions = array<i32: 0>} : vector<16xi32>
    %mul3A_1 = arith.constant 512 : i32
    %mul3A_2 = arith.muli %add3A, %mul3A_1 : i32
    "tpu.region"() ({
      %run_scoped3A = tpu.sem_alloc : memref<!tpu.dma_semaphore, #tpu.memory_space<semaphore_mem>>
      %dma_start3A_78 = arith.constant 0 : i32
      %dma_start3A_79 = tpu.memref_slice %arg2[%mul3A_2, %dma_start3A_78] : memref<16384x20xi32, #tpu.memory_space<hbm>> -> memref<512x20xi32, #tpu.memory_space<hbm>>
      %dma_start3A_80 = arith.constant 0 : i32
      %dma_start3A_81 = tpu.memref_slice %arg2[%mul3A_2, %dma_start3A_80] : memref<16384x20xi32, #tpu.memory_space<hbm>> -> memref<512x20xi32, #tpu.memory_space<hbm>>
      tpu.enqueue_dma source(%dma_start3A_81 : memref<512x20xi32, #tpu.memory_space<hbm>>) target(%arg8 : memref<512x20xi32, #tpu.memory_space<vmem>>) target_semaphore(%run_scoped3A : memref<!tpu.dma_semaphore, #tpu.memory_space<semaphore_mem>>)
      %dma_wait3A_82 = arith.constant 0 : i32
      %dma_wait3A_83 = tpu.memref_slice %arg2[%mul3A_2, %dma_wait3A_82] : memref<16384x20xi32, #tpu.memory_space<hbm>> -> memref<512x20xi32, #tpu.memory_space<hbm>>
      %dma_wait3A_84 = arith.constant 0 : i32
      %dma_wait3A_85 = tpu.memref_slice %arg2[%mul3A_2, %dma_wait3A_84] : memref<16384x20xi32, #tpu.memory_space<hbm>> -> memref<512x20xi32, #tpu.memory_space<hbm>>
      tpu.wait_dma2 semaphore(%run_scoped3A : memref<!tpu.dma_semaphore, #tpu.memory_space<semaphore_mem>>) src(%dma_wait3A_85 : memref<512x20xi32, #tpu.memory_space<hbm>>) dst(%arg8 : memref<512x20xi32, #tpu.memory_space<vmem>>)
      tpu.yield
    }) : () -> ()
    %scan3A = arith.constant 0 : i32
    %scan3A_3 = arith.constant 8 : i32
    %scan3A_4 = arith.addi %scan3A, %scan3A_3 : i32
    %scan3A_5 = arith.constant 1 : i32
    scf.for %scan3A_78 = %scan3A to %scan3A_4 step %scan3A_5  : i32 {
      %scan3A_79 = arith.constant 0 : i32
      %scan3A_80 = arith.constant 80 : i32
      %scan3A_81 = arith.addi %scan3A_79, %scan3A_80 : i32
      %scan3A_82 = arith.constant 1 : i32
      scf.for %scan3A_249 = %scan3A_79 to %scan3A_81 step %scan3A_82  : i32 {
        %mul3A_250 = arith.constant 1280 : i32
        %mul3A_251 = arith.muli %scan3A_78, %mul3A_250 : i32
        %mul3A_252 = arith.constant 16 : i32
        %mul3A_253 = arith.muli %scan3A_249, %mul3A_252 : i32
        %add3A_254 = arith.addi %mul3A_251, %mul3A_253 : i32
        %add3A_255 = vector.broadcast %add3A_254 : i32 to vector<16xi32>
        %add3A_256 = arith.addi %add3A_255, %iota3A : vector<16xi32>
        %and3A = arith.constant 3 : i32
        %and3A_257 = vector.broadcast %and3A : i32 to vector<16xi32>
        %and3A_258 = arith.andi %add3A_256, %and3A_257 : vector<16xi32>
        %shift_right_arithmetic3A = arith.constant 2 : i32
        %shift_right_arithmetic3A_259 = vector.broadcast %shift_right_arithmetic3A : i32 to vector<16xi32>
        %shift_right_arithmetic3A_260 = arith.shrsi %add3A_256, %shift_right_arithmetic3A_259 : vector<16xi32>
        %and3A_261 = arith.constant 7 : i32
        %and3A_262 = vector.broadcast %and3A_261 : i32 to vector<16xi32>
        %and3A_263 = arith.andi %shift_right_arithmetic3A_260, %and3A_262 : vector<16xi32>
        %shift_right_arithmetic3A_264 = arith.constant 5 : i32
        %shift_right_arithmetic3A_265 = vector.broadcast %shift_right_arithmetic3A_264 : i32 to vector<16xi32>
        %shift_right_arithmetic3A_266 = arith.shrsi %add3A_256, %shift_right_arithmetic3A_265 : vector<16xi32>
        %mul3A_267 = arith.constant 52429 : i32
        %mul3A_268 = vector.broadcast %mul3A_267 : i32 to vector<16xi32>
        %mul3A_269 = arith.muli %shift_right_arithmetic3A_266, %mul3A_268 : vector<16xi32>
        %shift_right_arithmetic3A_270 = arith.constant 18 : i32
        %shift_right_arithmetic3A_271 = vector.broadcast %shift_right_arithmetic3A_270 : i32 to vector<16xi32>
        %shift_right_arithmetic3A_272 = arith.shrsi %mul3A_269, %shift_right_arithmetic3A_271 : vector<16xi32>
        %mul3A_273 = arith.constant 5 : i32
        %mul3A_274 = vector.broadcast %mul3A_273 : i32 to vector<16xi32>
        %mul3A_275 = arith.muli %shift_right_arithmetic3A_272, %mul3A_274 : vector<16xi32>
        %sub3A = arith.subi %shift_right_arithmetic3A_266, %mul3A_275 : vector<16xi32>
        %mul3A_276 = arith.constant 8 : i32
        %mul3A_277 = vector.broadcast %mul3A_276 : i32 to vector<16xi32>
        %mul3A_278 = arith.muli %shift_right_arithmetic3A_272, %mul3A_277 : vector<16xi32>
        %add3A_279 = arith.addi %mul3A_278, %and3A_263 : vector<16xi32>
        %mul3A_280 = arith.constant 4 : i32
        %mul3A_281 = vector.broadcast %mul3A_280 : i32 to vector<16xi32>
        %mul3A_282 = arith.muli %sub3A, %mul3A_281 : vector<16xi32>
        %add3A_283 = arith.addi %mul3A_282, %and3A_258 : vector<16xi32>
        %gather3A = tpu.vector_load_idx %arg8[%add3A_279, %add3A_283] : memref<512x20xi32, #tpu.memory_space<vmem>>[vector<16xi32>, vector<16xi32>], vector<16xi32>,
        %shift_right_arithmetic3A_284 = arith.constant 14 : i32
        %shift_right_arithmetic3A_285 = vector.broadcast %shift_right_arithmetic3A_284 : i32 to vector<16xi32>
        %shift_right_arithmetic3A_286 = arith.shrsi %gather3A, %shift_right_arithmetic3A_285 : vector<16xi32>
        %shift_left3A = arith.constant 14 : i32
        %shift_left3A_287 = vector.broadcast %shift_left3A : i32 to vector<16xi32>
        %shift_left3A_288 = arith.shli %shift_right_arithmetic3A_286, %shift_left3A_287 : vector<16xi32>
        %and3A_289 = arith.constant 4095 : i32
        %and3A_290 = vector.broadcast %and3A_289 : i32 to vector<16xi32>
        %and3A_291 = arith.andi %gather3A, %and3A_290 : vector<16xi32>
        %shift_left3A_292 = arith.constant 2 : i32
        %shift_left3A_293 = vector.broadcast %shift_left3A_292 : i32 to vector<16xi32>
        %shift_left3A_294 = arith.shli %and3A_291, %shift_left3A_293 : vector<16xi32>
        %or3A = arith.ori %shift_left3A_288, %shift_left3A_294 : vector<16xi32>
        %shift_right_arithmetic3A_295 = arith.constant 12 : i32
        %shift_right_arithmetic3A_296 = vector.broadcast %shift_right_arithmetic3A_295 : i32 to vector<16xi32>
        %shift_right_arithmetic3A_297 = arith.shrsi %gather3A, %shift_right_arithmetic3A_296 : vector<16xi32>
        %and3A_298 = arith.constant 3 : i32
        %and3A_299 = vector.broadcast %and3A_298 : i32 to vector<16xi32>
        %and3A_300 = arith.andi %shift_right_arithmetic3A_297, %and3A_299 : vector<16xi32>
        %or3A_301 = arith.ori %or3A, %and3A_300 : vector<16xi32>
        %mul3A_302 = arith.constant 16 : i32
        %mul3A_303 = arith.muli %scan3A_249, %mul3A_302 : i32
        %swap3A = arith.index_cast %mul3A_303 : i32 to index
        %swap3A_304 = tpu.vector_load %arg10[%swap3A] {strides = array<i32>} : memref<1280xi32, #tpu.memory_space<vmem>>, vector<16xi32>,
        tpu.vector_store %arg10[%swap3A], %or3A_301 {strides = array<i32>} : memref<1280xi32, #tpu.memory_space<vmem>>, vector<16xi32>,
      }
      %scan3A_83 = arith.constant 80 : i32
      %dma_start3A_84 = arith.constant 0 : i32
      %dma_start3A_85 = arith.constant 0 : i32
      %dma_start3A_86 = tpu.memref_slice %arg11[%dma_start3A_84, %dma_start3A_85] : memref<1280x32xf32, #tpu.memory_space<vmem>> -> memref<128x32xf32, #tpu.memory_space<vmem>>
      %dma_start3A_87 = arith.constant 0 : i32
      %dma_start3A_88 = tpu.memref_slice %arg10[%dma_start3A_87] : memref<1280xi32, #tpu.memory_space<vmem>> -> memref<128xi32, #tpu.memory_space<vmem>>
      %dma_start3A_89 = arith.constant 0 : i32
      %dma_start3A_90 = arith.constant 0 : i32
      %dma_start3A_91 = tpu.memref_slice %arg4[%dma_start3A_89, %dma_start3A_90] : memref<1015808x32xf32, #tpu.memory_space<hbm>> -> memref<1015808x32xf32, #tpu.memory_space<hbm>>
      tpu.enqueue_indirect_dma source(%dma_start3A_91 : memref<1015808x32xf32, #tpu.memory_space<hbm>>) target(%dma_start3A_86 : memref<128x32xf32, #tpu.memory_space<vmem>>) offsets(%dma_start3A_88 : memref<128xi32, #tpu.memory_space<vmem>>) semaphore(%arg12 : memref<!tpu.dma_semaphore, #tpu.memory_space<semaphore_mem>>)
      %dma_start3A_92 = arith.constant 128 : i32
      %dma_start3A_93 = arith.constant 0 : i32
      %dma_start3A_94 = tpu.memref_slice %arg11[%dma_start3A_92, %dma_start3A_93] : memref<1280x32xf32, #tpu.memory_space<vmem>> -> memref<128x32xf32, #tpu.memory_space<vmem>>
      %dma_start3A_95 = arith.constant 128 : i32
      %dma_start3A_96 = tpu.memref_slice %arg10[%dma_start3A_95] : memref<1280xi32, #tpu.memory_space<vmem>> -> memref<128xi32, #tpu.memory_space<vmem>>
      %dma_start3A_97 = arith.constant 0 : i32
      %dma_start3A_98 = arith.constant 0 : i32
      %dma_start3A_99 = tpu.memref_slice %arg4[%dma_start3A_97, %dma_start3A_98] : memref<1015808x32xf32, #tpu.memory_space<hbm>> -> memref<1015808x32xf32, #tpu.memory_space<hbm>>
      tpu.enqueue_indirect_dma source(%dma_start3A_99 : memref<1015808x32xf32, #tpu.memory_space<hbm>>) target(%dma_start3A_94 : memref<128x32xf32, #tpu.memory_space<vmem>>) offsets(%dma_start3A_96 : memref<128xi32, #tpu.memory_space<vmem>>) semaphore(%arg12 : memref<!tpu.dma_semaphore, #tpu.memory_space<semaphore_mem>>)
      %dma_start3A_100 = arith.constant 256 : i32
      %dma_start3A_101 = arith.constant 0 : i32
      %dma_start3A_102 = tpu.memref_slice %arg11[%dma_start3A_100, %dma_start3A_101] : memref<1280x32xf32, #tpu.memory_space<vmem>> -> memref<128x32xf32, #tpu.memory_space<vmem>>
      %dma_start3A_103 = arith.constant 256 : i32
      %dma_start3A_104 = tpu.memref_slice %arg10[%dma_start3A_103] : memref<1280xi32, #tpu.memory_space<vmem>> -> memref<128xi32, #tpu.memory_space<vmem>>
      %dma_start3A_105 = arith.constant 0 : i32
      %dma_start3A_106 = arith.constant 0 : i32
      %dma_start3A_107 = tpu.memref_slice %arg4[%dma_start3A_105, %dma_start3A_106] : memref<1015808x32xf32, #tpu.memory_space<hbm>> -> memref<1015808x32xf32, #tpu.memory_space<hbm>>
      tpu.enqueue_indirect_dma source(%dma_start3A_107 : memref<1015808x32xf32, #tpu.memory_space<hbm>>) target(%dma_start3A_102 : memref<128x32xf32, #tpu.memory_space<vmem>>) offsets(%dma_start3A_104 : memref<128xi32, #tpu.memory_space<vmem>>) semaphore(%arg12 : memref<!tpu.dma_semaphore, #tpu.memory_space<semaphore_mem>>)
      %dma_start3A_108 = arith.constant 384 : i32
      %dma_start3A_109 = arith.constant 0 : i32
      %dma_start3A_110 = tpu.memref_slice %arg11[%dma_start3A_108, %dma_start3A_109] : memref<1280x32xf32, #tpu.memory_space<vmem>> -> memref<128x32xf32, #tpu.memory_space<vmem>>
      %dma_start3A_111 = arith.constant 384 : i32
      %dma_start3A_112 = tpu.memref_slice %arg10[%dma_start3A_111] : memref<1280xi32, #tpu.memory_space<vmem>> -> memref<128xi32, #tpu.memory_space<vmem>>
      %dma_start3A_113 = arith.constant 0 : i32
      %dma_start3A_114 = arith.constant 0 : i32
      %dma_start3A_115 = tpu.memref_slice %arg4[%dma_start3A_113, %dma_start3A_114] : memref<1015808x32xf32, #tpu.memory_space<hbm>> -> memref<1015808x32xf32, #tpu.memory_space<hbm>>
      tpu.enqueue_indirect_dma source(%dma_start3A_115 : memref<1015808x32xf32, #tpu.memory_space<hbm>>) target(%dma_start3A_110 : memref<128x32xf32, #tpu.memory_space<vmem>>) offsets(%dma_start3A_112 : memref<128xi32, #tpu.memory_space<vmem>>) semaphore(%arg12 : memref<!tpu.dma_semaphore, #tpu.memory_space<semaphore_mem>>)
      %dma_start3A_116 = arith.constant 512 : i32
      %dma_start3A_117 = arith.constant 0 : i32
      %dma_start3A_118 = tpu.memref_slice %arg11[%dma_start3A_116, %dma_start3A_117] : memref<1280x32xf32, #tpu.memory_space<vmem>> -> memref<128x32xf32, #tpu.memory_space<vmem>>
      %dma_start3A_119 = arith.constant 512 : i32
      %dma_start3A_120 = tpu.memref_slice %arg10[%dma_start3A_119] : memref<1280xi32, #tpu.memory_space<vmem>> -> memref<128xi32, #tpu.memory_space<vmem>>
      %dma_start3A_121 = arith.constant 0 : i32
      %dma_start3A_122 = arith.constant 0 : i32
      %dma_start3A_123 = tpu.memref_slice %arg4[%dma_start3A_121, %dma_start3A_122] : memref<1015808x32xf32, #tpu.memory_space<hbm>> -> memref<1015808x32xf32, #tpu.memory_space<hbm>>
      tpu.enqueue_indirect_dma source(%dma_start3A_123 : memref<1015808x32xf32, #tpu.memory_space<hbm>>) target(%dma_start3A_118 : memref<128x32xf32, #tpu.memory_space<vmem>>) offsets(%dma_start3A_120 : memref<128xi32, #tpu.memory_space<vmem>>) semaphore(%arg12 : memref<!tpu.dma_semaphore, #tpu.memory_space<semaphore_mem>>)
      %dma_start3A_124 = arith.constant 640 : i32
      %dma_start3A_125 = arith.constant 0 : i32
      %dma_start3A_126 = tpu.memref_slice %arg11[%dma_start3A_124, %dma_start3A_125] : memref<1280x32xf32, #tpu.memory_space<vmem>> -> memref<128x32xf32, #tpu.memory_space<vmem>>
      %dma_start3A_127 = arith.constant 640 : i32
      %dma_start3A_128 = tpu.memref_slice %arg10[%dma_start3A_127] : memref<1280xi32, #tpu.memory_space<vmem>> -> memref<128xi32, #tpu.memory_space<vmem>>
      %dma_start3A_129 = arith.constant 0 : i32
      %dma_start3A_130 = arith.constant 0 : i32
      %dma_start3A_131 = tpu.memref_slice %arg4[%dma_start3A_129, %dma_start3A_130] : memref<1015808x32xf32, #tpu.memory_space<hbm>> -> memref<1015808x32xf32, #tpu.memory_space<hbm>>
      tpu.enqueue_indirect_dma source(%dma_start3A_131 : memref<1015808x32xf32, #tpu.memory_space<hbm>>) target(%dma_start3A_126 : memref<128x32xf32, #tpu.memory_space<vmem>>) offsets(%dma_start3A_128 : memref<128xi32, #tpu.memory_space<vmem>>) semaphore(%arg12 : memref<!tpu.dma_semaphore, #tpu.memory_space<semaphore_mem>>)
      %dma_start3A_132 = arith.constant 768 : i32
      %dma_start3A_133 = arith.constant 0 : i32
      %dma_start3A_134 = tpu.memref_slice %arg11[%dma_start3A_132, %dma_start3A_133] : memref<1280x32xf32, #tpu.memory_space<vmem>> -> memref<128x32xf32, #tpu.memory_space<vmem>>
      %dma_start3A_135 = arith.constant 768 : i32
      %dma_start3A_136 = tpu.memref_slice %arg10[%dma_start3A_135] : memref<1280xi32, #tpu.memory_space<vmem>> -> memref<128xi32, #tpu.memory_space<vmem>>
      %dma_start3A_137 = arith.constant 0 : i32
      %dma_start3A_138 = arith.constant 0 : i32
      %dma_start3A_139 = tpu.memref_slice %arg4[%dma_start3A_137, %dma_start3A_138] : memref<1015808x32xf32, #tpu.memory_space<hbm>> -> memref<1015808x32xf32, #tpu.memory_space<hbm>>
      tpu.enqueue_indirect_dma source(%dma_start3A_139 : memref<1015808x32xf32, #tpu.memory_space<hbm>>) target(%dma_start3A_134 : memref<128x32xf32, #tpu.memory_space<vmem>>) offsets(%dma_start3A_136 : memref<128xi32, #tpu.memory_space<vmem>>) semaphore(%arg12 : memref<!tpu.dma_semaphore, #tpu.memory_space<semaphore_mem>>)
      %dma_start3A_140 = arith.constant 896 : i32
      %dma_start3A_141 = arith.constant 0 : i32
      %dma_start3A_142 = tpu.memref_slice %arg11[%dma_start3A_140, %dma_start3A_141] : memref<1280x32xf32, #tpu.memory_space<vmem>> -> memref<128x32xf32, #tpu.memory_space<vmem>>
      %dma_start3A_143 = arith.constant 896 : i32
      %dma_start3A_144 = tpu.memref_slice %arg10[%dma_start3A_143] : memref<1280xi32, #tpu.memory_space<vmem>> -> memref<128xi32, #tpu.memory_space<vmem>>
      %dma_start3A_145 = arith.constant 0 : i32
      %dma_start3A_146 = arith.constant 0 : i32
      %dma_start3A_147 = tpu.memref_slice %arg4[%dma_start3A_145, %dma_start3A_146] : memref<1015808x32xf32, #tpu.memory_space<hbm>> -> memref<1015808x32xf32, #tpu.memory_space<hbm>>
      tpu.enqueue_indirect_dma source(%dma_start3A_147 : memref<1015808x32xf32, #tpu.memory_space<hbm>>) target(%dma_start3A_142 : memref<128x32xf32, #tpu.memory_space<vmem>>) offsets(%dma_start3A_144 : memref<128xi32, #tpu.memory_space<vmem>>) semaphore(%arg12 : memref<!tpu.dma_semaphore, #tpu.memory_space<semaphore_mem>>)
      %dma_start3A_148 = arith.constant 1024 : i32
      %dma_start3A_149 = arith.constant 0 : i32
      %dma_start3A_150 = tpu.memref_slice %arg11[%dma_start3A_148, %dma_start3A_149] : memref<1280x32xf32, #tpu.memory_space<vmem>> -> memref<128x32xf32, #tpu.memory_space<vmem>>
      %dma_start3A_151 = arith.constant 1024 : i32
      %dma_start3A_152 = tpu.memref_slice %arg10[%dma_start3A_151] : memref<1280xi32, #tpu.memory_space<vmem>> -> memref<128xi32, #tpu.memory_space<vmem>>
      %dma_start3A_153 = arith.constant 0 : i32
      %dma_start3A_154 = arith.constant 0 : i32
      %dma_start3A_155 = tpu.memref_slice %arg4[%dma_start3A_153, %dma_start3A_154] : memref<1015808x32xf32, #tpu.memory_space<hbm>> -> memref<1015808x32xf32, #tpu.memory_space<hbm>>
      tpu.enqueue_indirect_dma source(%dma_start3A_155 : memref<1015808x32xf32, #tpu.memory_space<hbm>>) target(%dma_start3A_150 : memref<128x32xf32, #tpu.memory_space<vmem>>) offsets(%dma_start3A_152 : memref<128xi32, #tpu.memory_space<vmem>>) semaphore(%arg12 : memref<!tpu.dma_semaphore, #tpu.memory_space<semaphore_mem>>)
      %dma_start3A_156 = arith.constant 1152 : i32
      %dma_start3A_157 = arith.constant 0 : i32
      %dma_start3A_158 = tpu.memref_slice %arg11[%dma_start3A_156, %dma_start3A_157] : memref<1280x32xf32, #tpu.memory_space<vmem>> -> memref<128x32xf32, #tpu.memory_space<vmem>>
      %dma_start3A_159 = arith.constant 1152 : i32
      %dma_start3A_160 = tpu.memref_slice %arg10[%dma_start3A_159] : memref<1280xi32, #tpu.memory_space<vmem>> -> memref<128xi32, #tpu.memory_space<vmem>>
      %dma_start3A_161 = arith.constant 0 : i32
      %dma_start3A_162 = arith.constant 0 : i32
      %dma_start3A_163 = tpu.memref_slice %arg4[%dma_start3A_161, %dma_start3A_162] : memref<1015808x32xf32, #tpu.memory_space<hbm>> -> memref<1015808x32xf32, #tpu.memory_space<hbm>>
      tpu.enqueue_indirect_dma source(%dma_start3A_163 : memref<1015808x32xf32, #tpu.memory_space<hbm>>) target(%dma_start3A_158 : memref<128x32xf32, #tpu.memory_space<vmem>>) offsets(%dma_start3A_160 : memref<128xi32, #tpu.memory_space<vmem>>) semaphore(%arg12 : memref<!tpu.dma_semaphore, #tpu.memory_space<semaphore_mem>>)
      %dma_wait3A_164 = arith.constant 0 : i32
      %dma_wait3A_165 = arith.constant 0 : i32
      %dma_wait3A_166 = tpu.memref_slice %arg11[%dma_wait3A_164, %dma_wait3A_165] : memref<1280x32xf32, #tpu.memory_space<vmem>> -> memref<128x32xf32, #tpu.memory_space<vmem>>
      %dma_wait3A_167 = arith.constant 0 : i32
      %dma_wait3A_168 = tpu.memref_slice %arg10[%dma_wait3A_167] : memref<1280xi32, #tpu.memory_space<vmem>> -> memref<128xi32, #tpu.memory_space<vmem>>
      %dma_wait3A_169 = arith.constant 0 : i32
      %dma_wait3A_170 = arith.constant 0 : i32
      %dma_wait3A_171 = tpu.memref_slice %arg4[%dma_wait3A_169, %dma_wait3A_170] : memref<1015808x32xf32, #tpu.memory_space<hbm>> -> memref<1015808x32xf32, #tpu.memory_space<hbm>>
      tpu.wait_indirect_dma semaphore(%arg12 : memref<!tpu.dma_semaphore, #tpu.memory_space<semaphore_mem>>) src(%dma_wait3A_171 : memref<1015808x32xf32, #tpu.memory_space<hbm>>) dst(%dma_wait3A_166 : memref<128x32xf32, #tpu.memory_space<vmem>>)
      %dma_wait3A_172 = arith.constant 128 : i32
      %dma_wait3A_173 = arith.constant 0 : i32
      %dma_wait3A_174 = tpu.memref_slice %arg11[%dma_wait3A_172, %dma_wait3A_173] : memref<1280x32xf32, #tpu.memory_space<vmem>> -> memref<128x32xf32, #tpu.memory_space<vmem>>
      %dma_wait3A_175 = arith.constant 128 : i32
      %dma_wait3A_176 = tpu.memref_slice %arg10[%dma_wait3A_175] : memref<1280xi32, #tpu.memory_space<vmem>> -> memref<128xi32, #tpu.memory_space<vmem>>
      %dma_wait3A_177 = arith.constant 0 : i32
      %dma_wait3A_178 = arith.constant 0 : i32
      %dma_wait3A_179 = tpu.memref_slice %arg4[%dma_wait3A_177, %dma_wait3A_178] : memref<1015808x32xf32, #tpu.memory_space<hbm>> -> memref<1015808x32xf32, #tpu.memory_space<hbm>>
      tpu.wait_indirect_dma semaphore(%arg12 : memref<!tpu.dma_semaphore, #tpu.memory_space<semaphore_mem>>) src(%dma_wait3A_179 : memref<1015808x32xf32, #tpu.memory_space<hbm>>) dst(%dma_wait3A_174 : memref<128x32xf32, #tpu.memory_space<vmem>>)
      %dma_wait3A_180 = arith.constant 256 : i32
      %dma_wait3A_181 = arith.constant 0 : i32
      %dma_wait3A_182 = tpu.memref_slice %arg11[%dma_wait3A_180, %dma_wait3A_181] : memref<1280x32xf32, #tpu.memory_space<vmem>> -> memref<128x32xf32, #tpu.memory_space<vmem>>
      %dma_wait3A_183 = arith.constant 256 : i32
      %dma_wait3A_184 = tpu.memref_slice %arg10[%dma_wait3A_183] : memref<1280xi32, #tpu.memory_space<vmem>> -> memref<128xi32, #tpu.memory_space<vmem>>
      %dma_wait3A_185 = arith.constant 0 : i32
      %dma_wait3A_186 = arith.constant 0 : i32
      %dma_wait3A_187 = tpu.memref_slice %arg4[%dma_wait3A_185, %dma_wait3A_186] : memref<1015808x32xf32, #tpu.memory_space<hbm>> -> memref<1015808x32xf32, #tpu.memory_space<hbm>>
      tpu.wait_indirect_dma semaphore(%arg12 : memref<!tpu.dma_semaphore, #tpu.memory_space<semaphore_mem>>) src(%dma_wait3A_187 : memref<1015808x32xf32, #tpu.memory_space<hbm>>) dst(%dma_wait3A_182 : memref<128x32xf32, #tpu.memory_space<vmem>>)
      %dma_wait3A_188 = arith.constant 384 : i32
      %dma_wait3A_189 = arith.constant 0 : i32
      %dma_wait3A_190 = tpu.memref_slice %arg11[%dma_wait3A_188, %dma_wait3A_189] : memref<1280x32xf32, #tpu.memory_space<vmem>> -> memref<128x32xf32, #tpu.memory_space<vmem>>
      %dma_wait3A_191 = arith.constant 384 : i32
      %dma_wait3A_192 = tpu.memref_slice %arg10[%dma_wait3A_191] : memref<1280xi32, #tpu.memory_space<vmem>> -> memref<128xi32, #tpu.memory_space<vmem>>
      %dma_wait3A_193 = arith.constant 0 : i32
      %dma_wait3A_194 = arith.constant 0 : i32
      %dma_wait3A_195 = tpu.memref_slice %arg4[%dma_wait3A_193, %dma_wait3A_194] : memref<1015808x32xf32, #tpu.memory_space<hbm>> -> memref<1015808x32xf32, #tpu.memory_space<hbm>>
      tpu.wait_indirect_dma semaphore(%arg12 : memref<!tpu.dma_semaphore, #tpu.memory_space<semaphore_mem>>) src(%dma_wait3A_195 : memref<1015808x32xf32, #tpu.memory_space<hbm>>) dst(%dma_wait3A_190 : memref<128x32xf32, #tpu.memory_space<vmem>>)
      %dma_wait3A_196 = arith.constant 512 : i32
      %dma_wait3A_197 = arith.constant 0 : i32
      %dma_wait3A_198 = tpu.memref_slice %arg11[%dma_wait3A_196, %dma_wait3A_197] : memref<1280x32xf32, #tpu.memory_space<vmem>> -> memref<128x32xf32, #tpu.memory_space<vmem>>
      %dma_wait3A_199 = arith.constant 512 : i32
      %dma_wait3A_200 = tpu.memref_slice %arg10[%dma_wait3A_199] : memref<1280xi32, #tpu.memory_space<vmem>> -> memref<128xi32, #tpu.memory_space<vmem>>
      %dma_wait3A_201 = arith.constant 0 : i32
      %dma_wait3A_202 = arith.constant 0 : i32
      %dma_wait3A_203 = tpu.memref_slice %arg4[%dma_wait3A_201, %dma_wait3A_202] : memref<1015808x32xf32, #tpu.memory_space<hbm>> -> memref<1015808x32xf32, #tpu.memory_space<hbm>>
      tpu.wait_indirect_dma semaphore(%arg12 : memref<!tpu.dma_semaphore, #tpu.memory_space<semaphore_mem>>) src(%dma_wait3A_203 : memref<1015808x32xf32, #tpu.memory_space<hbm>>) dst(%dma_wait3A_198 : memref<128x32xf32, #tpu.memory_space<vmem>>)
      %dma_wait3A_204 = arith.constant 640 : i32
      %dma_wait3A_205 = arith.constant 0 : i32
      %dma_wait3A_206 = tpu.memref_slice %arg11[%dma_wait3A_204, %dma_wait3A_205] : memref<1280x32xf32, #tpu.memory_space<vmem>> -> memref<128x32xf32, #tpu.memory_space<vmem>>
      %dma_wait3A_207 = arith.constant 640 : i32
      %dma_wait3A_208 = tpu.memref_slice %arg10[%dma_wait3A_207] : memref<1280xi32, #tpu.memory_space<vmem>> -> memref<128xi32, #tpu.memory_space<vmem>>
      %dma_wait3A_209 = arith.constant 0 : i32
      %dma_wait3A_210 = arith.constant 0 : i32
      %dma_wait3A_211 = tpu.memref_slice %arg4[%dma_wait3A_209, %dma_wait3A_210] : memref<1015808x32xf32, #tpu.memory_space<hbm>> -> memref<1015808x32xf32, #tpu.memory_space<hbm>>
      tpu.wait_indirect_dma semaphore(%arg12 : memref<!tpu.dma_semaphore, #tpu.memory_space<semaphore_mem>>) src(%dma_wait3A_211 : memref<1015808x32xf32, #tpu.memory_space<hbm>>) dst(%dma_wait3A_206 : memref<128x32xf32, #tpu.memory_space<vmem>>)
      %dma_wait3A_212 = arith.constant 768 : i32
      %dma_wait3A_213 = arith.constant 0 : i32
      %dma_wait3A_214 = tpu.memref_slice %arg11[%dma_wait3A_212, %dma_wait3A_213] : memref<1280x32xf32, #tpu.memory_space<vmem>> -> memref<128x32xf32, #tpu.memory_space<vmem>>
      %dma_wait3A_215 = arith.constant 768 : i32
      %dma_wait3A_216 = tpu.memref_slice %arg10[%dma_wait3A_215] : memref<1280xi32, #tpu.memory_space<vmem>> -> memref<128xi32, #tpu.memory_space<vmem>>
      %dma_wait3A_217 = arith.constant 0 : i32
      %dma_wait3A_218 = arith.constant 0 : i32
      %dma_wait3A_219 = tpu.memref_slice %arg4[%dma_wait3A_217, %dma_wait3A_218] : memref<1015808x32xf32, #tpu.memory_space<hbm>> -> memref<1015808x32xf32, #tpu.memory_space<hbm>>
      tpu.wait_indirect_dma semaphore(%arg12 : memref<!tpu.dma_semaphore, #tpu.memory_space<semaphore_mem>>) src(%dma_wait3A_219 : memref<1015808x32xf32, #tpu.memory_space<hbm>>) dst(%dma_wait3A_214 : memref<128x32xf32, #tpu.memory_space<vmem>>)
      %dma_wait3A_220 = arith.constant 896 : i32
      %dma_wait3A_221 = arith.constant 0 : i32
      %dma_wait3A_222 = tpu.memref_slice %arg11[%dma_wait3A_220, %dma_wait3A_221] : memref<1280x32xf32, #tpu.memory_space<vmem>> -> memref<128x32xf32, #tpu.memory_space<vmem>>
      %dma_wait3A_223 = arith.constant 896 : i32
      %dma_wait3A_224 = tpu.memref_slice %arg10[%dma_wait3A_223] : memref<1280xi32, #tpu.memory_space<vmem>> -> memref<128xi32, #tpu.memory_space<vmem>>
      %dma_wait3A_225 = arith.constant 0 : i32
      %dma_wait3A_226 = arith.constant 0 : i32
      %dma_wait3A_227 = tpu.memref_slice %arg4[%dma_wait3A_225, %dma_wait3A_226] : memref<1015808x32xf32, #tpu.memory_space<hbm>> -> memref<1015808x32xf32, #tpu.memory_space<hbm>>
      tpu.wait_indirect_dma semaphore(%arg12 : memref<!tpu.dma_semaphore, #tpu.memory_space<semaphore_mem>>) src(%dma_wait3A_227 : memref<1015808x32xf32, #tpu.memory_space<hbm>>) dst(%dma_wait3A_222 : memref<128x32xf32, #tpu.memory_space<vmem>>)
      %dma_wait3A_228 = arith.constant 1024 : i32
      %dma_wait3A_229 = arith.constant 0 : i32
      %dma_wait3A_230 = tpu.memref_slice %arg11[%dma_wait3A_228, %dma_wait3A_229] : memref<1280x32xf32, #tpu.memory_space<vmem>> -> memref<128x32xf32, #tpu.memory_space<vmem>>
      %dma_wait3A_231 = arith.constant 1024 : i32
      %dma_wait3A_232 = tpu.memref_slice %arg10[%dma_wait3A_231] : memref<1280xi32, #tpu.memory_space<vmem>> -> memref<128xi32, #tpu.memory_space<vmem>>
      %dma_wait3A_233 = arith.constant 0 : i32
      %dma_wait3A_234 = arith.constant 0 : i32
      %dma_wait3A_235 = tpu.memref_slice %arg4[%dma_wait3A_233, %dma_wait3A_234] : memref<1015808x32xf32, #tpu.memory_space<hbm>> -> memref<1015808x32xf32, #tpu.memory_space<hbm>>
      tpu.wait_indirect_dma semaphore(%arg12 : memref<!tpu.dma_semaphore, #tpu.memory_space<semaphore_mem>>) src(%dma_wait3A_235 : memref<1015808x32xf32, #tpu.memory_space<hbm>>) dst(%dma_wait3A_230 : memref<128x32xf32, #tpu.memory_space<vmem>>)
      %dma_wait3A_236 = arith.constant 1152 : i32
      %dma_wait3A_237 = arith.constant 0 : i32
      %dma_wait3A_238 = tpu.memref_slice %arg11[%dma_wait3A_236, %dma_wait3A_237] : memref<1280x32xf32, #tpu.memory_space<vmem>> -> memref<128x32xf32, #tpu.memory_space<vmem>>
      %dma_wait3A_239 = arith.constant 1152 : i32
      %dma_wait3A_240 = tpu.memref_slice %arg10[%dma_wait3A_239] : memref<1280xi32, #tpu.memory_space<vmem>> -> memref<128xi32, #tpu.memory_space<vmem>>
      %dma_wait3A_241 = arith.constant 0 : i32
      %dma_wait3A_242 = arith.constant 0 : i32
      %dma_wait3A_243 = tpu.memref_slice %arg4[%dma_wait3A_241, %dma_wait3A_242] : memref<1015808x32xf32, #tpu.memory_space<hbm>> -> memref<1015808x32xf32, #tpu.memory_space<hbm>>
      tpu.wait_indirect_dma semaphore(%arg12 : memref<!tpu.dma_semaphore, #tpu.memory_space<semaphore_mem>>) src(%dma_wait3A_243 : memref<1015808x32xf32, #tpu.memory_space<hbm>>) dst(%dma_wait3A_238 : memref<128x32xf32, #tpu.memory_space<vmem>>)
      %mul3A_244 = arith.constant 10240 : i32
      %mul3A_245 = arith.muli %add3A, %mul3A_244 : i32
      %mul3A_246 = arith.constant 1280 : i32
      %mul3A_247 = arith.muli %scan3A_78, %mul3A_246 : i32
      %add3A_248 = arith.addi %mul3A_245, %mul3A_247 : i32
      "tpu.region"() ({
        %run_scoped3A = tpu.sem_alloc : memref<!tpu.dma_semaphore, #tpu.memory_space<semaphore_mem>>
        %dma_start3A_249 = arith.constant 0 : i32
        %dma_start3A_250 = tpu.memref_slice %arg6[%add3A_248, %dma_start3A_249] : memref<327680x32xf32, #tpu.memory_space<hbm>> -> memref<1280x32xf32, #tpu.memory_space<hbm>>
        %dma_start3A_251 = arith.constant 0 : i32
        %dma_start3A_252 = tpu.memref_slice %arg6[%add3A_248, %dma_start3A_251] : memref<327680x32xf32, #tpu.memory_space<hbm>> -> memref<1280x32xf32, #tpu.memory_space<hbm>>
        tpu.enqueue_dma source(%arg11 : memref<1280x32xf32, #tpu.memory_space<vmem>>) target(%dma_start3A_252 : memref<1280x32xf32, #tpu.memory_space<hbm>>) target_semaphore(%run_scoped3A : memref<!tpu.dma_semaphore, #tpu.memory_space<semaphore_mem>>)
        %dma_wait3A_253 = arith.constant 0 : i32
        %dma_wait3A_254 = tpu.memref_slice %arg6[%add3A_248, %dma_wait3A_253] : memref<327680x32xf32, #tpu.memory_space<hbm>> -> memref<1280x32xf32, #tpu.memory_space<hbm>>
        %dma_wait3A_255 = arith.constant 0 : i32
        %dma_wait3A_256 = tpu.memref_slice %arg6[%add3A_248, %dma_wait3A_255] : memref<327680x32xf32, #tpu.memory_space<hbm>> -> memref<1280x32xf32, #tpu.memory_space<hbm>>
        tpu.wait_dma2 semaphore(%run_scoped3A : memref<!tpu.dma_semaphore, #tpu.memory_space<semaphore_mem>>) src(%arg11 : memref<1280x32xf32, #tpu.memory_space<vmem>>) dst(%dma_wait3A_256 : memref<1280x32xf32, #tpu.memory_space<hbm>>)
        tpu.yield
      }) : () -> ()
    }
    %scan3A_6 = arith.constant 8 : i32
    %mul3A_7 = arith.constant 512 : i32
    %mul3A_8 = arith.muli %add3A, %mul3A_7 : i32
    "tpu.region"() ({
      %run_scoped3A = tpu.sem_alloc : memref<!tpu.dma_semaphore, #tpu.memory_space<semaphore_mem>>
      %dma_start3A_78 = arith.constant 0 : i32
      %dma_start3A_79 = tpu.memref_slice %arg3[%mul3A_8, %dma_start3A_78] : memref<16384x2xi32, #tpu.memory_space<hbm>> -> memref<512x2xi32, #tpu.memory_space<hbm>>
      %dma_start3A_80 = arith.constant 0 : i32
      %dma_start3A_81 = tpu.memref_slice %arg3[%mul3A_8, %dma_start3A_80] : memref<16384x2xi32, #tpu.memory_space<hbm>> -> memref<512x2xi32, #tpu.memory_space<hbm>>
      tpu.enqueue_dma source(%dma_start3A_81 : memref<512x2xi32, #tpu.memory_space<hbm>>) target(%arg9 : memref<512x2xi32, #tpu.memory_space<vmem>>) target_semaphore(%run_scoped3A : memref<!tpu.dma_semaphore, #tpu.memory_space<semaphore_mem>>)
      %dma_wait3A_82 = arith.constant 0 : i32
      %dma_wait3A_83 = tpu.memref_slice %arg3[%mul3A_8, %dma_wait3A_82] : memref<16384x2xi32, #tpu.memory_space<hbm>> -> memref<512x2xi32, #tpu.memory_space<hbm>>
      %dma_wait3A_84 = arith.constant 0 : i32
      %dma_wait3A_85 = tpu.memref_slice %arg3[%mul3A_8, %dma_wait3A_84] : memref<16384x2xi32, #tpu.memory_space<hbm>> -> memref<512x2xi32, #tpu.memory_space<hbm>>
      tpu.wait_dma2 semaphore(%run_scoped3A : memref<!tpu.dma_semaphore, #tpu.memory_space<semaphore_mem>>) src(%dma_wait3A_85 : memref<512x2xi32, #tpu.memory_space<hbm>>) dst(%arg9 : memref<512x2xi32, #tpu.memory_space<vmem>>)
      tpu.yield
    }) : () -> ()
    %scan3A_9 = arith.constant 0 : i32
    %scan3A_10 = arith.constant 32 : i32
    %scan3A_11 = arith.addi %scan3A_9, %scan3A_10 : i32
    %scan3A_12 = arith.constant 1 : i32
    scf.for %scan3A_78 = %scan3A_9 to %scan3A_11 step %scan3A_12  : i32 {
      %mul3A_79 = arith.constant 16 : i32
      %mul3A_80 = arith.muli %scan3A_78, %mul3A_79 : i32
      %add3A_81 = vector.broadcast %mul3A_80 : i32 to vector<16xi32>
      %add3A_82 = arith.addi %add3A_81, %iota3A : vector<16xi32>
      %broadcast_in_dim3A = arith.constant 1 : i32
      %broadcast_in_dim3A_83 = vector.broadcast %broadcast_in_dim3A : i32 to vector<16xi32>
      %gather3A = tpu.vector_load_idx %arg9[%add3A_82, %broadcast_in_dim3A_83] : memref<512x2xi32, #tpu.memory_space<vmem>>[vector<16xi32>, vector<16xi32>], vector<16xi32>,
      %shift_right_arithmetic3A = arith.constant 14 : i32
      %shift_right_arithmetic3A_84 = vector.broadcast %shift_right_arithmetic3A : i32 to vector<16xi32>
      %shift_right_arithmetic3A_85 = arith.shrsi %gather3A, %shift_right_arithmetic3A_84 : vector<16xi32>
      %shift_left3A = arith.constant 14 : i32
      %shift_left3A_86 = vector.broadcast %shift_left3A : i32 to vector<16xi32>
      %shift_left3A_87 = arith.shli %shift_right_arithmetic3A_85, %shift_left3A_86 : vector<16xi32>
      %and3A = arith.constant 4095 : i32
      %and3A_88 = vector.broadcast %and3A : i32 to vector<16xi32>
      %and3A_89 = arith.andi %gather3A, %and3A_88 : vector<16xi32>
      %shift_left3A_90 = arith.constant 2 : i32
      %shift_left3A_91 = vector.broadcast %shift_left3A_90 : i32 to vector<16xi32>
      %shift_left3A_92 = arith.shli %and3A_89, %shift_left3A_91 : vector<16xi32>
      %or3A = arith.ori %shift_left3A_87, %shift_left3A_92 : vector<16xi32>
      %shift_right_arithmetic3A_93 = arith.constant 12 : i32
      %shift_right_arithmetic3A_94 = vector.broadcast %shift_right_arithmetic3A_93 : i32 to vector<16xi32>
      %shift_right_arithmetic3A_95 = arith.shrsi %gather3A, %shift_right_arithmetic3A_94 : vector<16xi32>
      %and3A_96 = arith.constant 3 : i32
      %and3A_97 = vector.broadcast %and3A_96 : i32 to vector<16xi32>
      %and3A_98 = arith.andi %shift_right_arithmetic3A_95, %and3A_97 : vector<16xi32>
      %or3A_99 = arith.ori %or3A, %and3A_98 : vector<16xi32>
      %mul3A_100 = arith.constant 16 : i32
      %mul3A_101 = arith.muli %scan3A_78, %mul3A_100 : i32
      %swap3A = arith.index_cast %mul3A_101 : i32 to index
      %swap3A_102 = tpu.vector_load %arg10[%swap3A] {strides = array<i32>} : memref<1280xi32, #tpu.memory_space<vmem>>, vector<16xi32>,
      tpu.vector_store %arg10[%swap3A], %or3A_99 {strides = array<i32>} : memref<1280xi32, #tpu.memory_space<vmem>>, vector<16xi32>,
    }
    %scan3A_13 = arith.constant 32 : i32
    %dma_start3A = arith.constant 0 : i32
    %dma_start3A_14 = arith.constant 0 : i32
    %dma_start3A_15 = tpu.memref_slice %arg11[%dma_start3A, %dma_start3A_14] : memref<1280x32xf32, #tpu.memory_space<vmem>> -> memref<128x32xf32, #tpu.memory_space<vmem>>
    %dma_start3A_16 = arith.constant 0 : i32
    %dma_start3A_17 = tpu.memref_slice %arg10[%dma_start3A_16] : memref<1280xi32, #tpu.memory_space<vmem>> -> memref<128xi32, #tpu.memory_space<vmem>>
    %dma_start3A_18 = arith.constant 0 : i32
    %dma_start3A_19 = arith.constant 0 : i32
    %dma_start3A_20 = tpu.memref_slice %arg5[%dma_start3A_18, %dma_start3A_19] : memref<1015808x32xf32, #tpu.memory_space<hbm>> -> memref<1015808x32xf32, #tpu.memory_space<hbm>>
    tpu.enqueue_indirect_dma source(%dma_start3A_20 : memref<1015808x32xf32, #tpu.memory_space<hbm>>) target(%dma_start3A_15 : memref<128x32xf32, #tpu.memory_space<vmem>>) offsets(%dma_start3A_17 : memref<128xi32, #tpu.memory_space<vmem>>) semaphore(%arg12 : memref<!tpu.dma_semaphore, #tpu.memory_space<semaphore_mem>>)
    %dma_start3A_21 = arith.constant 128 : i32
    %dma_start3A_22 = arith.constant 0 : i32
    %dma_start3A_23 = tpu.memref_slice %arg11[%dma_start3A_21, %dma_start3A_22] : memref<1280x32xf32, #tpu.memory_space<vmem>> -> memref<128x32xf32, #tpu.memory_space<vmem>>
    %dma_start3A_24 = arith.constant 128 : i32
    %dma_start3A_25 = tpu.memref_slice %arg10[%dma_start3A_24] : memref<1280xi32, #tpu.memory_space<vmem>> -> memref<128xi32, #tpu.memory_space<vmem>>
    %dma_start3A_26 = arith.constant 0 : i32
    %dma_start3A_27 = arith.constant 0 : i32
    %dma_start3A_28 = tpu.memref_slice %arg5[%dma_start3A_26, %dma_start3A_27] : memref<1015808x32xf32, #tpu.memory_space<hbm>> -> memref<1015808x32xf32, #tpu.memory_space<hbm>>
    tpu.enqueue_indirect_dma source(%dma_start3A_28 : memref<1015808x32xf32, #tpu.memory_space<hbm>>) target(%dma_start3A_23 : memref<128x32xf32, #tpu.memory_space<vmem>>) offsets(%dma_start3A_25 : memref<128xi32, #tpu.memory_space<vmem>>) semaphore(%arg12 : memref<!tpu.dma_semaphore, #tpu.memory_space<semaphore_mem>>)
    %dma_start3A_29 = arith.constant 256 : i32
    %dma_start3A_30 = arith.constant 0 : i32
    %dma_start3A_31 = tpu.memref_slice %arg11[%dma_start3A_29, %dma_start3A_30] : memref<1280x32xf32, #tpu.memory_space<vmem>> -> memref<128x32xf32, #tpu.memory_space<vmem>>
    %dma_start3A_32 = arith.constant 256 : i32
    %dma_start3A_33 = tpu.memref_slice %arg10[%dma_start3A_32] : memref<1280xi32, #tpu.memory_space<vmem>> -> memref<128xi32, #tpu.memory_space<vmem>>
    %dma_start3A_34 = arith.constant 0 : i32
    %dma_start3A_35 = arith.constant 0 : i32
    %dma_start3A_36 = tpu.memref_slice %arg5[%dma_start3A_34, %dma_start3A_35] : memref<1015808x32xf32, #tpu.memory_space<hbm>> -> memref<1015808x32xf32, #tpu.memory_space<hbm>>
    tpu.enqueue_indirect_dma source(%dma_start3A_36 : memref<1015808x32xf32, #tpu.memory_space<hbm>>) target(%dma_start3A_31 : memref<128x32xf32, #tpu.memory_space<vmem>>) offsets(%dma_start3A_33 : memref<128xi32, #tpu.memory_space<vmem>>) semaphore(%arg12 : memref<!tpu.dma_semaphore, #tpu.memory_space<semaphore_mem>>)
    %dma_start3A_37 = arith.constant 384 : i32
    %dma_start3A_38 = arith.constant 0 : i32
    %dma_start3A_39 = tpu.memref_slice %arg11[%dma_start3A_37, %dma_start3A_38] : memref<1280x32xf32, #tpu.memory_space<vmem>> -> memref<128x32xf32, #tpu.memory_space<vmem>>
    %dma_start3A_40 = arith.constant 384 : i32
    %dma_start3A_41 = tpu.memref_slice %arg10[%dma_start3A_40] : memref<1280xi32, #tpu.memory_space<vmem>> -> memref<128xi32, #tpu.memory_space<vmem>>
    %dma_start3A_42 = arith.constant 0 : i32
    %dma_start3A_43 = arith.constant 0 : i32
    %dma_start3A_44 = tpu.memref_slice %arg5[%dma_start3A_42, %dma_start3A_43] : memref<1015808x32xf32, #tpu.memory_space<hbm>> -> memref<1015808x32xf32, #tpu.memory_space<hbm>>
    tpu.enqueue_indirect_dma source(%dma_start3A_44 : memref<1015808x32xf32, #tpu.memory_space<hbm>>) target(%dma_start3A_39 : memref<128x32xf32, #tpu.memory_space<vmem>>) offsets(%dma_start3A_41 : memref<128xi32, #tpu.memory_space<vmem>>) semaphore(%arg12 : memref<!tpu.dma_semaphore, #tpu.memory_space<semaphore_mem>>)
    %dma_wait3A = arith.constant 0 : i32
    %dma_wait3A_45 = arith.constant 0 : i32
    %dma_wait3A_46 = tpu.memref_slice %arg11[%dma_wait3A, %dma_wait3A_45] : memref<1280x32xf32, #tpu.memory_space<vmem>> -> memref<128x32xf32, #tpu.memory_space<vmem>>
    %dma_wait3A_47 = arith.constant 0 : i32
    %dma_wait3A_48 = tpu.memref_slice %arg10[%dma_wait3A_47] : memref<1280xi32, #tpu.memory_space<vmem>> -> memref<128xi32, #tpu.memory_space<vmem>>
    %dma_wait3A_49 = arith.constant 0 : i32
    %dma_wait3A_50 = arith.constant 0 : i32
    %dma_wait3A_51 = tpu.memref_slice %arg5[%dma_wait3A_49, %dma_wait3A_50] : memref<1015808x32xf32, #tpu.memory_space<hbm>> -> memref<1015808x32xf32, #tpu.memory_space<hbm>>
    tpu.wait_indirect_dma semaphore(%arg12 : memref<!tpu.dma_semaphore, #tpu.memory_space<semaphore_mem>>) src(%dma_wait3A_51 : memref<1015808x32xf32, #tpu.memory_space<hbm>>) dst(%dma_wait3A_46 : memref<128x32xf32, #tpu.memory_space<vmem>>)
    %dma_wait3A_52 = arith.constant 128 : i32
    %dma_wait3A_53 = arith.constant 0 : i32
    %dma_wait3A_54 = tpu.memref_slice %arg11[%dma_wait3A_52, %dma_wait3A_53] : memref<1280x32xf32, #tpu.memory_space<vmem>> -> memref<128x32xf32, #tpu.memory_space<vmem>>
    %dma_wait3A_55 = arith.constant 128 : i32
    %dma_wait3A_56 = tpu.memref_slice %arg10[%dma_wait3A_55] : memref<1280xi32, #tpu.memory_space<vmem>> -> memref<128xi32, #tpu.memory_space<vmem>>
    %dma_wait3A_57 = arith.constant 0 : i32
    %dma_wait3A_58 = arith.constant 0 : i32
    %dma_wait3A_59 = tpu.memref_slice %arg5[%dma_wait3A_57, %dma_wait3A_58] : memref<1015808x32xf32, #tpu.memory_space<hbm>> -> memref<1015808x32xf32, #tpu.memory_space<hbm>>
    tpu.wait_indirect_dma semaphore(%arg12 : memref<!tpu.dma_semaphore, #tpu.memory_space<semaphore_mem>>) src(%dma_wait3A_59 : memref<1015808x32xf32, #tpu.memory_space<hbm>>) dst(%dma_wait3A_54 : memref<128x32xf32, #tpu.memory_space<vmem>>)
    %dma_wait3A_60 = arith.constant 256 : i32
    %dma_wait3A_61 = arith.constant 0 : i32
    %dma_wait3A_62 = tpu.memref_slice %arg11[%dma_wait3A_60, %dma_wait3A_61] : memref<1280x32xf32, #tpu.memory_space<vmem>> -> memref<128x32xf32, #tpu.memory_space<vmem>>
    %dma_wait3A_63 = arith.constant 256 : i32
    %dma_wait3A_64 = tpu.memref_slice %arg10[%dma_wait3A_63] : memref<1280xi32, #tpu.memory_space<vmem>> -> memref<128xi32, #tpu.memory_space<vmem>>
    %dma_wait3A_65 = arith.constant 0 : i32
    %dma_wait3A_66 = arith.constant 0 : i32
    %dma_wait3A_67 = tpu.memref_slice %arg5[%dma_wait3A_65, %dma_wait3A_66] : memref<1015808x32xf32, #tpu.memory_space<hbm>> -> memref<1015808x32xf32, #tpu.memory_space<hbm>>
    tpu.wait_indirect_dma semaphore(%arg12 : memref<!tpu.dma_semaphore, #tpu.memory_space<semaphore_mem>>) src(%dma_wait3A_67 : memref<1015808x32xf32, #tpu.memory_space<hbm>>) dst(%dma_wait3A_62 : memref<128x32xf32, #tpu.memory_space<vmem>>)
    %dma_wait3A_68 = arith.constant 384 : i32
    %dma_wait3A_69 = arith.constant 0 : i32
    %dma_wait3A_70 = tpu.memref_slice %arg11[%dma_wait3A_68, %dma_wait3A_69] : memref<1280x32xf32, #tpu.memory_space<vmem>> -> memref<128x32xf32, #tpu.memory_space<vmem>>
    %dma_wait3A_71 = arith.constant 384 : i32
    %dma_wait3A_72 = tpu.memref_slice %arg10[%dma_wait3A_71] : memref<1280xi32, #tpu.memory_space<vmem>> -> memref<128xi32, #tpu.memory_space<vmem>>
    %dma_wait3A_73 = arith.constant 0 : i32
    %dma_wait3A_74 = arith.constant 0 : i32
    %dma_wait3A_75 = tpu.memref_slice %arg5[%dma_wait3A_73, %dma_wait3A_74] : memref<1015808x32xf32, #tpu.memory_space<hbm>> -> memref<1015808x32xf32, #tpu.memory_space<hbm>>
    tpu.wait_indirect_dma semaphore(%arg12 : memref<!tpu.dma_semaphore, #tpu.memory_space<semaphore_mem>>) src(%dma_wait3A_75 : memref<1015808x32xf32, #tpu.memory_space<hbm>>) dst(%dma_wait3A_70 : memref<128x32xf32, #tpu.memory_space<vmem>>)
    %mul3A_76 = arith.constant 512 : i32
    %mul3A_77 = arith.muli %add3A, %mul3A_76 : i32
    "tpu.region"() ({
      %run_scoped3A = tpu.sem_alloc : memref<!tpu.dma_semaphore, #tpu.memory_space<semaphore_mem>>
      %dma_start3A_78 = arith.constant 0 : i32
      %dma_start3A_79 = arith.constant 0 : i32
      %dma_start3A_80 = tpu.memref_slice %arg11[%dma_start3A_78, %dma_start3A_79] : memref<1280x32xf32, #tpu.memory_space<vmem>> -> memref<512x32xf32, #tpu.memory_space<vmem>>
      %dma_start3A_81 = arith.constant 0 : i32
      %dma_start3A_82 = tpu.memref_slice %arg7[%mul3A_77, %dma_start3A_81] : memref<16384x32xf32, #tpu.memory_space<hbm>> -> memref<512x32xf32, #tpu.memory_space<hbm>>
      %dma_start3A_83 = arith.constant 0 : i32
      %dma_start3A_84 = tpu.memref_slice %arg7[%mul3A_77, %dma_start3A_83] : memref<16384x32xf32, #tpu.memory_space<hbm>> -> memref<512x32xf32, #tpu.memory_space<hbm>>
      %dma_start3A_85 = arith.constant 0 : i32
      %dma_start3A_86 = arith.constant 0 : i32
      %dma_start3A_87 = tpu.memref_slice %arg11[%dma_start3A_85, %dma_start3A_86] : memref<1280x32xf32, #tpu.memory_space<vmem>> -> memref<512x32xf32, #tpu.memory_space<vmem>>
      tpu.enqueue_dma source(%dma_start3A_87 : memref<512x32xf32, #tpu.memory_space<vmem>>) target(%dma_start3A_84 : memref<512x32xf32, #tpu.memory_space<hbm>>) target_semaphore(%run_scoped3A : memref<!tpu.dma_semaphore, #tpu.memory_space<semaphore_mem>>)
      %dma_wait3A_88 = arith.constant 0 : i32
      %dma_wait3A_89 = arith.constant 0 : i32
      %dma_wait3A_90 = tpu.memref_slice %arg11[%dma_wait3A_88, %dma_wait3A_89] : memref<1280x32xf32, #tpu.memory_space<vmem>> -> memref<512x32xf32, #tpu.memory_space<vmem>>
      %dma_wait3A_91 = arith.constant 0 : i32
      %dma_wait3A_92 = tpu.memref_slice %arg7[%mul3A_77, %dma_wait3A_91] : memref<16384x32xf32, #tpu.memory_space<hbm>> -> memref<512x32xf32, #tpu.memory_space<hbm>>
      %dma_wait3A_93 = arith.constant 0 : i32
      %dma_wait3A_94 = tpu.memref_slice %arg7[%mul3A_77, %dma_wait3A_93] : memref<16384x32xf32, #tpu.memory_space<hbm>> -> memref<512x32xf32, #tpu.memory_space<hbm>>
      %dma_wait3A_95 = arith.constant 0 : i32
      %dma_wait3A_96 = arith.constant 0 : i32
      %dma_wait3A_97 = tpu.memref_slice %arg11[%dma_wait3A_95, %dma_wait3A_96] : memref<1280x32xf32, #tpu.memory_space<vmem>> -> memref<512x32xf32, #tpu.memory_space<vmem>>
      tpu.wait_dma2 semaphore(%run_scoped3A : memref<!tpu.dma_semaphore, #tpu.memory_space<semaphore_mem>>) src(%dma_wait3A_97 : memref<512x32xf32, #tpu.memory_space<vmem>>) dst(%dma_wait3A_94 : memref<512x32xf32, #tpu.memory_space<hbm>>)
      tpu.yield
    }) : () -> ()
    return
  }
}

module attributes {stable_mosaic.version = 14 : i64} {
  func.func @_conv_kernel(%arg0: i32, %arg1: memref<32x16384xf32, #tpu.memory_space<vmem>>, %arg2: memref<4096x128xf32, #tpu.memory_space<vmem>>) attributes {dimension_semantics = [#tpu.dimension_semantics<arbitrary>], iteration_bounds = array<i64: 62>, scalar_prefetch = 0 : i64, scratch_operands = 0 : i64, tpu.core_type = #tpu.core_type<tc>, window_params = [{transform_indices = @transform_0, window_bounds = array<i64: 32, 16384>}, {transform_indices = @transform_1, window_bounds = array<i64: 4096, 128>}]} {
    %get3A = arith.constant 0 : index
    %get3A_0 = arith.constant 0 : index
    %get3A_1 = vector.load %arg1[%get3A, %get3A_0] : memref<32x16384xf32, #tpu.memory_space<vmem>>, vector<32x16384xf32>
    %slice3A = vector.extract_strided_slice %get3A_1 {offsets = [0, 0], sizes = [32, 4096], strides = [1, 1]} : vector<32x16384xf32> to vector<32x4096xf32>
    %slice3A_2 = vector.extract_strided_slice %get3A_1 {offsets = [0, 4096], sizes = [32, 4096], strides = [1, 1]} : vector<32x16384xf32> to vector<32x4096xf32>
    %slice3A_3 = vector.extract_strided_slice %get3A_1 {offsets = [0, 8192], sizes = [32, 4096], strides = [1, 1]} : vector<32x16384xf32> to vector<32x4096xf32>
    %slice3A_4 = vector.extract_strided_slice %get3A_1 {offsets = [0, 12288], sizes = [32, 4096], strides = [1, 1]} : vector<32x16384xf32> to vector<32x4096xf32>
    %concatenate3A = tpu.concatenate %slice3A, %slice3A_2, %slice3A_3, %slice3A_4 in 0 : vector<32x4096xf32>, vector<32x4096xf32>, vector<32x4096xf32>, vector<32x4096xf32> -> vector<128x4096xf32>
    %transpose3A = tpu.transpose %concatenate3A, [1, 0] : vector<128x4096xf32> -> vector<4096x128xf32>
    %swap3A = arith.constant 0 : index
    %swap3A_5 = arith.constant 0 : index
    %swap3A_6 = vector.load %arg2[%swap3A, %swap3A_5] : memref<4096x128xf32, #tpu.memory_space<vmem>>, vector<4096x128xf32>
    tpu.vector_store %arg2[%swap3A, %swap3A_5], %transpose3A {strides = array<i32>} : memref<4096x128xf32, #tpu.memory_space<vmem>>, vector<4096x128xf32>,
    return
  }
  func.func @transform_0(%arg0: i32) -> (i32, i32) {
    %c0_i32 = arith.constant 0 : i32
    %c0_i32_0 = arith.constant 0 : i32
    return %c0_i32, %arg0 : i32, i32
  }
  func.func @transform_1(%arg0: i32) -> (i32, i32) {
    %c0_i32 = arith.constant 0 : i32
    %c0_i32_0 = arith.constant 0 : i32
    return %arg0, %c0_i32 : i32, i32
  }
}

module attributes {stable_mosaic.version = 14 : i64} {
  func.func @_conv_kernel(%arg0: i32, %arg1: memref<32x16384xf32, #tpu.memory_space<vmem>>, %arg2: memref<4096x128xf32, #tpu.memory_space<vmem>>) attributes {dimension_semantics = [#tpu.dimension_semantics<arbitrary>], iteration_bounds = array<i64: 7>, scalar_prefetch = 0 : i64, scratch_operands = 0 : i64, tpu.core_type = #tpu.core_type<tc>, window_params = [{transform_indices = @transform_0, window_bounds = array<i64: 32, 16384>}, {transform_indices = @transform_1, window_bounds = array<i64: 4096, 128>}]} {
    %get3A = arith.constant 0 : index
    %get3A_0 = arith.constant 0 : index
    %get3A_1 = vector.load %arg1[%get3A, %get3A_0] : memref<32x16384xf32, #tpu.memory_space<vmem>>, vector<32x16384xf32>
    %slice3A = vector.extract_strided_slice %get3A_1 {offsets = [0, 0], sizes = [32, 4096], strides = [1, 1]} : vector<32x16384xf32> to vector<32x4096xf32>
    %slice3A_2 = vector.extract_strided_slice %get3A_1 {offsets = [0, 4096], sizes = [32, 4096], strides = [1, 1]} : vector<32x16384xf32> to vector<32x4096xf32>
    %slice3A_3 = vector.extract_strided_slice %get3A_1 {offsets = [0, 8192], sizes = [32, 4096], strides = [1, 1]} : vector<32x16384xf32> to vector<32x4096xf32>
    %slice3A_4 = vector.extract_strided_slice %get3A_1 {offsets = [0, 12288], sizes = [32, 4096], strides = [1, 1]} : vector<32x16384xf32> to vector<32x4096xf32>
    %concatenate3A = tpu.concatenate %slice3A, %slice3A_2, %slice3A_3, %slice3A_4 in 0 : vector<32x4096xf32>, vector<32x4096xf32>, vector<32x4096xf32>, vector<32x4096xf32> -> vector<128x4096xf32>
    %transpose3A = tpu.transpose %concatenate3A, [1, 0] : vector<128x4096xf32> -> vector<4096x128xf32>
    %swap3A = arith.constant 0 : index
    %swap3A_5 = arith.constant 0 : index
    %swap3A_6 = vector.load %arg2[%swap3A, %swap3A_5] : memref<4096x128xf32, #tpu.memory_space<vmem>>, vector<4096x128xf32>
    tpu.vector_store %arg2[%swap3A, %swap3A_5], %transpose3A {strides = array<i32>} : memref<4096x128xf32, #tpu.memory_space<vmem>>, vector<4096x128xf32>,
    return
  }
  func.func @transform_0(%arg0: i32) -> (i32, i32) {
    %c0_i32 = arith.constant 0 : i32
    %c0_i32_0 = arith.constant 0 : i32
    return %c0_i32, %arg0 : i32, i32
  }
  func.func @transform_1(%arg0: i32) -> (i32, i32) {
    %c0_i32 = arith.constant 0 : i32
    %c0_i32_0 = arith.constant 0 : i32
    return %arg0, %c0_i32 : i32, i32
  }
}

module attributes {stable_mosaic.version = 14 : i64} {
  func.func @_dense_kernel(%arg0: i32, %arg1: memref<512x32xf32, #tpu.memory_space<vmem>>, %arg2: memref<512x32xf32, #tpu.memory_space<vmem>>, %arg3: memref<64x5x8x128xf32, #tpu.memory_space<vmem>>, %arg4: memref<64x5x8x128xf32, #tpu.memory_space<vmem>>, %arg5: memref<640x32xf32, #tpu.memory_space<vmem>>, %arg6: memref<640x32xf32, #tpu.memory_space<vmem>>, %arg7: memref<1x32xf32, #tpu.memory_space<vmem>>, %arg8: memref<1x1x512xf32, #tpu.memory_space<vmem>>, %arg9: memref<1x1xf32, #tpu.memory_space<vmem>>) attributes {dimension_semantics = [#tpu.dimension_semantics<arbitrary>], iteration_bounds = array<i64: 32>, scalar_prefetch = 0 : i64, scratch_operands = 0 : i64, tpu.core_type = #tpu.core_type<tc>, window_params = [{transform_indices = @transform_0, window_bounds = array<i64: 512, 32>}, {transform_indices = @transform_1, window_bounds = array<i64: 512, 32>}, {transform_indices = @transform_2, window_bounds = array<i64: 64, 5, 8, 128>}, {transform_indices = @transform_3, window_bounds = array<i64: 64, 5, 8, 128>}, {pipeline_mode = #tpu.pipeline_mode<synchronous>, transform_indices = @transform_4, window_bounds = array<i64: 640, 32>}, {pipeline_mode = #tpu.pipeline_mode<synchronous>, transform_indices = @transform_5, window_bounds = array<i64: 640, 32>}, {pipeline_mode = #tpu.pipeline_mode<synchronous>, transform_indices = @transform_6, window_bounds = array<i64: 1, 32>}, {transform_indices = @transform_7, window_bounds = array<i64: 1, 1, 512>}, {pipeline_mode = #tpu.pipeline_mode<synchronous>, transform_indices = @transform_8, window_bounds = array<i64: 1, 1>}]} {
    %get3A = arith.constant 0 : index
    %get3A_0 = arith.constant 0 : index
    %get3A_1 = vector.load %arg1[%get3A, %get3A_0] : memref<512x32xf32, #tpu.memory_space<vmem>>, vector<512x32xf32>
    %get3A_2 = arith.constant 0 : index
    %get3A_3 = arith.constant 0 : index
    %get3A_4 = vector.load %arg2[%get3A_2, %get3A_3] : memref<512x32xf32, #tpu.memory_space<vmem>>, vector<512x32xf32>
    %get3A_5 = arith.constant 0 : index
    %get3A_6 = arith.constant 0 : index
    %get3A_7 = vector.load %arg7[%get3A_5, %get3A_6] : memref<1x32xf32, #tpu.memory_space<vmem>>, vector<1x32xf32>
    %get3A_8 = arith.constant 0 : index
    %get3A_9 = arith.constant 0 : index
    %get3A_10 = arith.constant 0 : index
    %get3A_11 = arith.constant 0 : index
    %get3A_12 = vector.load %arg3[%get3A_8, %get3A_9, %get3A_10, %get3A_11] : memref<64x5x8x128xf32, #tpu.memory_space<vmem>>, vector<64x1x8x128xf32>
    %get3A_13 = vector.shape_cast %get3A_12 : vector<64x1x8x128xf32> to vector<64x8x128xf32>
    %reshape3A = vector.shape_cast %get3A_13 : vector<64x8x128xf32> to vector<512x128xf32>
    %get3A_14 = arith.constant 0 : index
    %get3A_15 = arith.constant 0 : index
    %get3A_16 = arith.constant 0 : index
    %get3A_17 = arith.constant 0 : index
    %get3A_18 = vector.load %arg4[%get3A_14, %get3A_15, %get3A_16, %get3A_17] : memref<64x5x8x128xf32, #tpu.memory_space<vmem>>, vector<64x1x8x128xf32>
    %get3A_19 = vector.shape_cast %get3A_18 : vector<64x1x8x128xf32> to vector<64x8x128xf32>
    %reshape3A_20 = vector.shape_cast %get3A_19 : vector<64x8x128xf32> to vector<512x128xf32>
    %get3A_21 = arith.constant 0 : index
    %get3A_22 = arith.constant 0 : index
    %get3A_23 = vector.load %arg5[%get3A_21, %get3A_22] : memref<640x32xf32, #tpu.memory_space<vmem>>, vector<128x32xf32>
    %dot_general3A = arith.constant dense<0.000000e+00> : vector<512x32xf32>
    %dot_general3A_24 = tpu.matmul %reshape3A, %get3A_23, %dot_general3A {dimension_numbers = #tpu.dot_dimension_numbers<[1], [0], [0], [1], [0, 0, 1, 1], [], []>, transpose_lhs_hint = false} : vector<512x128xf32>, vector<128x32xf32>, vector<512x32xf32> -> vector<512x32xf32>
    %add3A = vector.broadcast %get3A_7 : vector<1x32xf32> to vector<512x32xf32>
    %add3A_25 = arith.addf %add3A, %dot_general3A_24 : vector<512x32xf32>
    %get3A_26 = arith.constant 0 : index
    %get3A_27 = arith.constant 0 : index
    %get3A_28 = vector.load %arg6[%get3A_26, %get3A_27] : memref<640x32xf32, #tpu.memory_space<vmem>>, vector<128x32xf32>
    %dot_general3A_29 = arith.constant dense<0.000000e+00> : vector<512x32xf32>
    %dot_general3A_30 = tpu.matmul %reshape3A_20, %get3A_28, %dot_general3A_29 {dimension_numbers = #tpu.dot_dimension_numbers<[1], [0], [0], [1], [0, 0, 1, 1], [], []>, transpose_lhs_hint = false} : vector<512x128xf32>, vector<128x32xf32>, vector<512x32xf32> -> vector<512x32xf32>
    %add3A_31 = arith.addf %add3A_25, %dot_general3A_30 : vector<512x32xf32>
    %get3A_32 = arith.constant 0 : index
    %get3A_33 = arith.constant 1 : index
    %get3A_34 = arith.constant 0 : index
    %get3A_35 = arith.constant 0 : index
    %get3A_36 = vector.load %arg3[%get3A_32, %get3A_33, %get3A_34, %get3A_35] : memref<64x5x8x128xf32, #tpu.memory_space<vmem>>, vector<64x1x8x128xf32>
    %get3A_37 = vector.shape_cast %get3A_36 : vector<64x1x8x128xf32> to vector<64x8x128xf32>
    %reshape3A_38 = vector.shape_cast %get3A_37 : vector<64x8x128xf32> to vector<512x128xf32>
    %get3A_39 = arith.constant 0 : index
    %get3A_40 = arith.constant 1 : index
    %get3A_41 = arith.constant 0 : index
    %get3A_42 = arith.constant 0 : index
    %get3A_43 = vector.load %arg4[%get3A_39, %get3A_40, %get3A_41, %get3A_42] : memref<64x5x8x128xf32, #tpu.memory_space<vmem>>, vector<64x1x8x128xf32>
    %get3A_44 = vector.shape_cast %get3A_43 : vector<64x1x8x128xf32> to vector<64x8x128xf32>
    %reshape3A_45 = vector.shape_cast %get3A_44 : vector<64x8x128xf32> to vector<512x128xf32>
    %get3A_46 = arith.constant 128 : index
    %get3A_47 = arith.constant 0 : index
    %get3A_48 = vector.load %arg5[%get3A_46, %get3A_47] : memref<640x32xf32, #tpu.memory_space<vmem>>, vector<128x32xf32>
    %dot_general3A_49 = arith.constant dense<0.000000e+00> : vector<512x32xf32>
    %dot_general3A_50 = tpu.matmul %reshape3A_38, %get3A_48, %dot_general3A_49 {dimension_numbers = #tpu.dot_dimension_numbers<[1], [0], [0], [1], [0, 0, 1, 1], [], []>, transpose_lhs_hint = false} : vector<512x128xf32>, vector<128x32xf32>, vector<512x32xf32> -> vector<512x32xf32>
    %add3A_51 = arith.addf %add3A_31, %dot_general3A_50 : vector<512x32xf32>
    %get3A_52 = arith.constant 128 : index
    %get3A_53 = arith.constant 0 : index
    %get3A_54 = vector.load %arg6[%get3A_52, %get3A_53] : memref<640x32xf32, #tpu.memory_space<vmem>>, vector<128x32xf32>
    %dot_general3A_55 = arith.constant dense<0.000000e+00> : vector<512x32xf32>
    %dot_general3A_56 = tpu.matmul %reshape3A_45, %get3A_54, %dot_general3A_55 {dimension_numbers = #tpu.dot_dimension_numbers<[1], [0], [0], [1], [0, 0, 1, 1], [], []>, transpose_lhs_hint = false} : vector<512x128xf32>, vector<128x32xf32>, vector<512x32xf32> -> vector<512x32xf32>
    %add3A_57 = arith.addf %add3A_51, %dot_general3A_56 : vector<512x32xf32>
    %get3A_58 = arith.constant 0 : index
    %get3A_59 = arith.constant 2 : index
    %get3A_60 = arith.constant 0 : index
    %get3A_61 = arith.constant 0 : index
    %get3A_62 = vector.load %arg3[%get3A_58, %get3A_59, %get3A_60, %get3A_61] : memref<64x5x8x128xf32, #tpu.memory_space<vmem>>, vector<64x1x8x128xf32>
    %get3A_63 = vector.shape_cast %get3A_62 : vector<64x1x8x128xf32> to vector<64x8x128xf32>
    %reshape3A_64 = vector.shape_cast %get3A_63 : vector<64x8x128xf32> to vector<512x128xf32>
    %get3A_65 = arith.constant 0 : index
    %get3A_66 = arith.constant 2 : index
    %get3A_67 = arith.constant 0 : index
    %get3A_68 = arith.constant 0 : index
    %get3A_69 = vector.load %arg4[%get3A_65, %get3A_66, %get3A_67, %get3A_68] : memref<64x5x8x128xf32, #tpu.memory_space<vmem>>, vector<64x1x8x128xf32>
    %get3A_70 = vector.shape_cast %get3A_69 : vector<64x1x8x128xf32> to vector<64x8x128xf32>
    %reshape3A_71 = vector.shape_cast %get3A_70 : vector<64x8x128xf32> to vector<512x128xf32>
    %get3A_72 = arith.constant 256 : index
    %get3A_73 = arith.constant 0 : index
    %get3A_74 = vector.load %arg5[%get3A_72, %get3A_73] : memref<640x32xf32, #tpu.memory_space<vmem>>, vector<128x32xf32>
    %dot_general3A_75 = arith.constant dense<0.000000e+00> : vector<512x32xf32>
    %dot_general3A_76 = tpu.matmul %reshape3A_64, %get3A_74, %dot_general3A_75 {dimension_numbers = #tpu.dot_dimension_numbers<[1], [0], [0], [1], [0, 0, 1, 1], [], []>, transpose_lhs_hint = false} : vector<512x128xf32>, vector<128x32xf32>, vector<512x32xf32> -> vector<512x32xf32>
    %add3A_77 = arith.addf %add3A_57, %dot_general3A_76 : vector<512x32xf32>
    %get3A_78 = arith.constant 256 : index
    %get3A_79 = arith.constant 0 : index
    %get3A_80 = vector.load %arg6[%get3A_78, %get3A_79] : memref<640x32xf32, #tpu.memory_space<vmem>>, vector<128x32xf32>
    %dot_general3A_81 = arith.constant dense<0.000000e+00> : vector<512x32xf32>
    %dot_general3A_82 = tpu.matmul %reshape3A_71, %get3A_80, %dot_general3A_81 {dimension_numbers = #tpu.dot_dimension_numbers<[1], [0], [0], [1], [0, 0, 1, 1], [], []>, transpose_lhs_hint = false} : vector<512x128xf32>, vector<128x32xf32>, vector<512x32xf32> -> vector<512x32xf32>
    %add3A_83 = arith.addf %add3A_77, %dot_general3A_82 : vector<512x32xf32>
    %get3A_84 = arith.constant 0 : index
    %get3A_85 = arith.constant 3 : index
    %get3A_86 = arith.constant 0 : index
    %get3A_87 = arith.constant 0 : index
    %get3A_88 = vector.load %arg3[%get3A_84, %get3A_85, %get3A_86, %get3A_87] : memref<64x5x8x128xf32, #tpu.memory_space<vmem>>, vector<64x1x8x128xf32>
    %get3A_89 = vector.shape_cast %get3A_88 : vector<64x1x8x128xf32> to vector<64x8x128xf32>
    %reshape3A_90 = vector.shape_cast %get3A_89 : vector<64x8x128xf32> to vector<512x128xf32>
    %get3A_91 = arith.constant 0 : index
    %get3A_92 = arith.constant 3 : index
    %get3A_93 = arith.constant 0 : index
    %get3A_94 = arith.constant 0 : index
    %get3A_95 = vector.load %arg4[%get3A_91, %get3A_92, %get3A_93, %get3A_94] : memref<64x5x8x128xf32, #tpu.memory_space<vmem>>, vector<64x1x8x128xf32>
    %get3A_96 = vector.shape_cast %get3A_95 : vector<64x1x8x128xf32> to vector<64x8x128xf32>
    %reshape3A_97 = vector.shape_cast %get3A_96 : vector<64x8x128xf32> to vector<512x128xf32>
    %get3A_98 = arith.constant 384 : index
    %get3A_99 = arith.constant 0 : index
    %get3A_100 = vector.load %arg5[%get3A_98, %get3A_99] : memref<640x32xf32, #tpu.memory_space<vmem>>, vector<128x32xf32>
    %dot_general3A_101 = arith.constant dense<0.000000e+00> : vector<512x32xf32>
    %dot_general3A_102 = tpu.matmul %reshape3A_90, %get3A_100, %dot_general3A_101 {dimension_numbers = #tpu.dot_dimension_numbers<[1], [0], [0], [1], [0, 0, 1, 1], [], []>, transpose_lhs_hint = false} : vector<512x128xf32>, vector<128x32xf32>, vector<512x32xf32> -> vector<512x32xf32>
    %add3A_103 = arith.addf %add3A_83, %dot_general3A_102 : vector<512x32xf32>
    %get3A_104 = arith.constant 384 : index
    %get3A_105 = arith.constant 0 : index
    %get3A_106 = vector.load %arg6[%get3A_104, %get3A_105] : memref<640x32xf32, #tpu.memory_space<vmem>>, vector<128x32xf32>
    %dot_general3A_107 = arith.constant dense<0.000000e+00> : vector<512x32xf32>
    %dot_general3A_108 = tpu.matmul %reshape3A_97, %get3A_106, %dot_general3A_107 {dimension_numbers = #tpu.dot_dimension_numbers<[1], [0], [0], [1], [0, 0, 1, 1], [], []>, transpose_lhs_hint = false} : vector<512x128xf32>, vector<128x32xf32>, vector<512x32xf32> -> vector<512x32xf32>
    %add3A_109 = arith.addf %add3A_103, %dot_general3A_108 : vector<512x32xf32>
    %get3A_110 = arith.constant 0 : index
    %get3A_111 = arith.constant 4 : index
    %get3A_112 = arith.constant 0 : index
    %get3A_113 = arith.constant 0 : index
    %get3A_114 = vector.load %arg3[%get3A_110, %get3A_111, %get3A_112, %get3A_113] : memref<64x5x8x128xf32, #tpu.memory_space<vmem>>, vector<64x1x8x128xf32>
    %get3A_115 = vector.shape_cast %get3A_114 : vector<64x1x8x128xf32> to vector<64x8x128xf32>
    %reshape3A_116 = vector.shape_cast %get3A_115 : vector<64x8x128xf32> to vector<512x128xf32>
    %get3A_117 = arith.constant 0 : index
    %get3A_118 = arith.constant 4 : index
    %get3A_119 = arith.constant 0 : index
    %get3A_120 = arith.constant 0 : index
    %get3A_121 = vector.load %arg4[%get3A_117, %get3A_118, %get3A_119, %get3A_120] : memref<64x5x8x128xf32, #tpu.memory_space<vmem>>, vector<64x1x8x128xf32>
    %get3A_122 = vector.shape_cast %get3A_121 : vector<64x1x8x128xf32> to vector<64x8x128xf32>
    %reshape3A_123 = vector.shape_cast %get3A_122 : vector<64x8x128xf32> to vector<512x128xf32>
    %get3A_124 = arith.constant 512 : index
    %get3A_125 = arith.constant 0 : index
    %get3A_126 = vector.load %arg5[%get3A_124, %get3A_125] : memref<640x32xf32, #tpu.memory_space<vmem>>, vector<128x32xf32>
    %dot_general3A_127 = arith.constant dense<0.000000e+00> : vector<512x32xf32>
    %dot_general3A_128 = tpu.matmul %reshape3A_116, %get3A_126, %dot_general3A_127 {dimension_numbers = #tpu.dot_dimension_numbers<[1], [0], [0], [1], [0, 0, 1, 1], [], []>, transpose_lhs_hint = false} : vector<512x128xf32>, vector<128x32xf32>, vector<512x32xf32> -> vector<512x32xf32>
    %add3A_129 = arith.addf %add3A_109, %dot_general3A_128 : vector<512x32xf32>
    %get3A_130 = arith.constant 512 : index
    %get3A_131 = arith.constant 0 : index
    %get3A_132 = vector.load %arg6[%get3A_130, %get3A_131] : memref<640x32xf32, #tpu.memory_space<vmem>>, vector<128x32xf32>
    %dot_general3A_133 = arith.constant dense<0.000000e+00> : vector<512x32xf32>
    %dot_general3A_134 = tpu.matmul %reshape3A_123, %get3A_132, %dot_general3A_133 {dimension_numbers = #tpu.dot_dimension_numbers<[1], [0], [0], [1], [0, 0, 1, 1], [], []>, transpose_lhs_hint = false} : vector<512x128xf32>, vector<128x32xf32>, vector<512x32xf32> -> vector<512x32xf32>
    %add3A_135 = arith.addf %add3A_129, %dot_general3A_134 : vector<512x32xf32>
    %logistic3A = arith.negf %add3A_135 : vector<512x32xf32>
    %logistic3A_136 = math.exp %logistic3A : vector<512x32xf32>
    %logistic3A_137 = arith.constant 1.000000e+00 : f32
    %logistic3A_138 = vector.broadcast %logistic3A_137 : f32 to vector<512x32xf32>
    %logistic3A_139 = arith.addf %logistic3A_138, %logistic3A_136 : vector<512x32xf32>
    %logistic3A_140 = arith.divf %logistic3A_138, %logistic3A_139 : vector<512x32xf32>
    %get3A_141 = arith.constant 0 : index
    %get3A_142 = arith.constant 0 : index
    %get3A_143 = arith.constant 0 : index
    %get3A_144 = vector.load %arg8[%get3A_141, %get3A_142, %get3A_143] : memref<1x1x512xf32, #tpu.memory_space<vmem>>, vector<1x1x512xf32>
    %get3A_145 = vector.shape_cast %get3A_144 : vector<1x1x512xf32> to vector<512xf32>
    %mul3A = arith.mulf %get3A_1, %get3A_4 : vector<512x32xf32>
    %reduce_sum3A = arith.constant dense<0.000000e+00> : vector<512xf32>
    %reduce_sum3A_146 = vector.multi_reduction <add>, %mul3A, %reduce_sum3A [1] : vector<512x32xf32> to vector<512xf32>
    %mul3A_147 = arith.mulf %get3A_1, %logistic3A_140 : vector<512x32xf32>
    %reduce_sum3A_148 = arith.constant dense<0.000000e+00> : vector<512xf32>
    %reduce_sum3A_149 = vector.multi_reduction <add>, %mul3A_147, %reduce_sum3A_148 [1] : vector<512x32xf32> to vector<512xf32>
    %logistic3A_150 = arith.negf %reduce_sum3A_146 : vector<512xf32>
    %logistic3A_151 = math.exp %logistic3A_150 : vector<512xf32>
    %logistic3A_152 = arith.constant 1.000000e+00 : f32
    %logistic3A_153 = vector.broadcast %logistic3A_152 : f32 to vector<512xf32>
    %logistic3A_154 = arith.addf %logistic3A_153, %logistic3A_151 : vector<512xf32>
    %logistic3A_155 = arith.divf %logistic3A_153, %logistic3A_154 : vector<512xf32>
    %jit3A = arith.constant 1.000000e-07 : f32
    %jit3A_156 = arith.constant 0.99999988 : f32
    %max3A = vector.broadcast %jit3A : f32 to vector<512xf32>
    %max3A_157 = arith.maximumf %max3A, %logistic3A_155 : vector<512xf32>
    %min3A = vector.broadcast %jit3A_156 : f32 to vector<512xf32>
    %min3A_158 = arith.minimumf %min3A, %max3A_157 : vector<512xf32>
    %log3A = math.log %min3A_158 : vector<512xf32>
    %mul3A_159 = arith.mulf %get3A_145, %log3A : vector<512xf32>
    %sub3A = arith.constant 1.000000e+00 : f32
    %sub3A_160 = vector.broadcast %sub3A : f32 to vector<512xf32>
    %sub3A_161 = arith.subf %sub3A_160, %get3A_145 : vector<512xf32>
    %neg3A = arith.constant 0.000000e+00 : f32
    %neg3A_162 = vector.broadcast %neg3A : f32 to vector<512xf32>
    %neg3A_163 = arith.subf %neg3A_162, %min3A_158 : vector<512xf32>
    %log1p3A = math.log1p %neg3A_163 : vector<512xf32>
    %mul3A_164 = arith.mulf %sub3A_161, %log1p3A : vector<512xf32>
    %add3A_165 = arith.addf %mul3A_159, %mul3A_164 : vector<512xf32>
    %neg3A_166 = arith.constant 0.000000e+00 : f32
    %neg3A_167 = vector.broadcast %neg3A_166 : f32 to vector<512xf32>
    %neg3A_168 = arith.subf %neg3A_167, %add3A_165 : vector<512xf32>
    %reduce_sum3A_169 = vector.shape_cast %neg3A_168 : vector<512xf32> to vector<1x512xf32>
    %reduce_sum3A_170 = arith.constant dense<0.000000e+00> : vector<1xf32>
    %reduce_sum3A_171 = vector.multi_reduction <add>, %reduce_sum3A_169, %reduce_sum3A_170 [1] : vector<1x512xf32> to vector<1xf32>
    %reduce_sum3A_172 = vector.shape_cast %reduce_sum3A_171 : vector<1xf32> to vector<1x1xf32>
    %reduce_sum3A_173 = vector.extract %reduce_sum3A_172[0, 0] : f32 from vector<1x1xf32>
    %logistic3A_174 = arith.negf %reduce_sum3A_149 : vector<512xf32>
    %logistic3A_175 = math.exp %logistic3A_174 : vector<512xf32>
    %logistic3A_176 = arith.constant 1.000000e+00 : f32
    %logistic3A_177 = vector.broadcast %logistic3A_176 : f32 to vector<512xf32>
    %logistic3A_178 = arith.addf %logistic3A_177, %logistic3A_175 : vector<512xf32>
    %logistic3A_179 = arith.divf %logistic3A_177, %logistic3A_178 : vector<512xf32>
    %jit3A_180 = arith.constant 1.000000e-07 : f32
    %jit3A_181 = arith.constant 0.99999988 : f32
    %max3A_182 = vector.broadcast %jit3A_180 : f32 to vector<512xf32>
    %max3A_183 = arith.maximumf %max3A_182, %logistic3A_179 : vector<512xf32>
    %min3A_184 = vector.broadcast %jit3A_181 : f32 to vector<512xf32>
    %min3A_185 = arith.minimumf %min3A_184, %max3A_183 : vector<512xf32>
    %log3A_186 = math.log %min3A_185 : vector<512xf32>
    %mul3A_187 = arith.mulf %get3A_145, %log3A_186 : vector<512xf32>
    %sub3A_188 = arith.constant 1.000000e+00 : f32
    %sub3A_189 = vector.broadcast %sub3A_188 : f32 to vector<512xf32>
    %sub3A_190 = arith.subf %sub3A_189, %get3A_145 : vector<512xf32>
    %neg3A_191 = arith.constant 0.000000e+00 : f32
    %neg3A_192 = vector.broadcast %neg3A_191 : f32 to vector<512xf32>
    %neg3A_193 = arith.subf %neg3A_192, %min3A_185 : vector<512xf32>
    %log1p3A_194 = math.log1p %neg3A_193 : vector<512xf32>
    %mul3A_195 = arith.mulf %sub3A_190, %log1p3A_194 : vector<512xf32>
    %add3A_196 = arith.addf %mul3A_187, %mul3A_195 : vector<512xf32>
    %neg3A_197 = arith.constant 0.000000e+00 : f32
    %neg3A_198 = vector.broadcast %neg3A_197 : f32 to vector<512xf32>
    %neg3A_199 = arith.subf %neg3A_198, %add3A_196 : vector<512xf32>
    %reduce_sum3A_200 = vector.shape_cast %neg3A_199 : vector<512xf32> to vector<1x512xf32>
    %reduce_sum3A_201 = arith.constant dense<0.000000e+00> : vector<1xf32>
    %reduce_sum3A_202 = vector.multi_reduction <add>, %reduce_sum3A_200, %reduce_sum3A_201 [1] : vector<1x512xf32> to vector<1xf32>
    %reduce_sum3A_203 = vector.shape_cast %reduce_sum3A_202 : vector<1xf32> to vector<1x1xf32>
    %reduce_sum3A_204 = vector.extract %reduce_sum3A_203[0, 0] : f32 from vector<1x1xf32>
    %add3A_205 = arith.addf %reduce_sum3A_173, %reduce_sum3A_204 : f32
    %mul3A_206 = arith.constant 6.10351563E-5 : f32
    %mul3A_207 = arith.mulf %add3A_205, %mul3A_206 : f32
    %eq3A = arith.constant 0 : i32
    %eq3A_208 = arith.cmpi eq, %arg0, %eq3A : i32
    %convert_element_type3A = arith.extui %eq3A_208 : i1 to i32
    %cond3A = arith.constant 0 : i32
    %cond3A_209 = arith.cmpi ne, %convert_element_type3A, %cond3A : i32
    scf.if %cond3A_209 {
      %broadcast_in_dim3A = arith.constant 0.000000e+00 : f32
      %broadcast_in_dim3A_217 = vector.broadcast %broadcast_in_dim3A : f32 to vector<1x1xf32>
      %swap3A_218 = arith.constant 0 : index
      %swap3A_219 = arith.constant 0 : index
      %swap3A_220 = vector.load %arg9[%swap3A_218, %swap3A_219] : memref<1x1xf32, #tpu.memory_space<vmem>>, vector<1x1xf32>
      tpu.vector_store %arg9[%swap3A_218, %swap3A_219], %broadcast_in_dim3A_217 {strides = array<i32>} : memref<1x1xf32, #tpu.memory_space<vmem>>, vector<1x1xf32>,
    } else {
    }
    %get3A_210 = arith.constant 0 : index
    %get3A_211 = arith.constant 0 : index
    %get3A_212 = vector.load %arg9[%get3A_210, %get3A_211] : memref<1x1xf32, #tpu.memory_space<vmem>>, vector<1x1xf32>
    %reshape3A_213 = vector.broadcast %mul3A_207 : f32 to vector<1x1xf32>
    %add3A_214 = arith.addf %get3A_212, %reshape3A_213 : vector<1x1xf32>
    %swap3A = arith.constant 0 : index
    %swap3A_215 = arith.constant 0 : index
    %swap3A_216 = vector.load %arg9[%swap3A, %swap3A_215] : memref<1x1xf32, #tpu.memory_space<vmem>>, vector<1x1xf32>
    tpu.vector_store %arg9[%swap3A, %swap3A_215], %add3A_214 {strides = array<i32>} : memref<1x1xf32, #tpu.memory_space<vmem>>, vector<1x1xf32>,
    return
  }
  func.func @transform_0(%arg0: i32) -> (i32, i32) {
    %c0_i32 = arith.constant 0 : i32
    %c0_i32_0 = arith.constant 0 : i32
    return %arg0, %c0_i32 : i32, i32
  }
  func.func @transform_1(%arg0: i32) -> (i32, i32) {
    %c0_i32 = arith.constant 0 : i32
    %c0_i32_0 = arith.constant 0 : i32
    return %arg0, %c0_i32 : i32, i32
  }
  func.func @transform_2(%arg0: i32) -> (i32, i32, i32, i32) {
    %c0_i32 = arith.constant 0 : i32
    %c0_i32_0 = arith.constant 0 : i32
    %c0_i32_1 = arith.constant 0 : i32
    %c0_i32_2 = arith.constant 0 : i32
    return %arg0, %c0_i32, %c0_i32_0, %c0_i32_1 : i32, i32, i32, i32
  }
  func.func @transform_3(%arg0: i32) -> (i32, i32, i32, i32) {
    %c0_i32 = arith.constant 0 : i32
    %c0_i32_0 = arith.constant 0 : i32
    %c0_i32_1 = arith.constant 0 : i32
    %c0_i32_2 = arith.constant 0 : i32
    return %arg0, %c0_i32, %c0_i32_0, %c0_i32_1 : i32, i32, i32, i32
  }
  func.func @transform_4(%arg0: i32) -> (i32, i32) {
    %c0_i32 = arith.constant 0 : i32
    %c0_i32_0 = arith.constant 0 : i32
    %c0_i32_1 = arith.constant 0 : i32
    return %c0_i32, %c0_i32_0 : i32, i32
  }
  func.func @transform_5(%arg0: i32) -> (i32, i32) {
    %c0_i32 = arith.constant 0 : i32
    %c0_i32_0 = arith.constant 0 : i32
    %c0_i32_1 = arith.constant 0 : i32
    return %c0_i32, %c0_i32_0 : i32, i32
  }
  func.func @transform_6(%arg0: i32) -> (i32, i32) {
    %c0_i32 = arith.constant 0 : i32
    %c0_i32_0 = arith.constant 0 : i32
    %c0_i32_1 = arith.constant 0 : i32
    return %c0_i32, %c0_i32_0 : i32, i32
  }
  func.func @transform_7(%arg0: i32) -> (i32, i32, i32) {
    %c0_i32 = arith.constant 0 : i32
    %c0_i32_0 = arith.constant 0 : i32
    %c0_i32_1 = arith.constant 0 : i32
    return %arg0, %c0_i32, %c0_i32_0 : i32, i32, i32
  }
  func.func @transform_8(%arg0: i32) -> (i32, i32) {
    %c0_i32 = arith.constant 0 : i32
    %c0_i32_0 = arith.constant 0 : i32
    %c0_i32_1 = arith.constant 0 : i32
    return %c0_i32, %c0_i32_0 : i32, i32
  }
}

</mosaic_0001>

<sc_bundles>
// kernel: sc_rel_user.3.cloned.1.call-start
scs
__scs_entry_jumppad:
0x0: {  	(pc) =	sbr.rel $0x88, $3  }
0x1: {  	(tag) =	ssettag $0x0;
	lr =	simm.s32 $0x1  }
0x2: {  	[smem:$0x3F98] =	sst lr;
	_ =	strace $0xD0000000  }
0x3: {  	_ = 	snop  }
0x4: {  	_ = 	snop  }
0x5: {  	_ = 	snop  }
0x6: {  	_ = 	snop  }
0x7: {  	_ = 	snop  }
__scs_overlays_trampoline_lowered:
0x8: {  	[smem:$0x3FA7] =	sst s0  }
0x9: {  	[smem:$0x3FA8] =	sst s1  }
0xa: {  	[smem:$0x3FA9] =	sst s2  }
0xb: {  	[smem:$0x3FAA] =	sst s3  }
0xc: {  	[smem:$0x3FAB] =	sst s4  }
0xd: {  	[smem:$0x3FAC] =	sst s5  }
0xe: {  	[smem:$0x3FAD] =	sst s6  }
0xf: {  	[smem:$0x3FAE] =	sst s7  }
0x10: {  	[smem:$0x3FAF] =	sst s8  }
0x11: {  	[smem:$0x3FB0] =	sst s9;
	s0 =	simm.s32 @!p0 $0x0  }
0x12: {  	s1 =	sld [smem:$0x3F96];
	s0 =	simm.s32 @p0 $0x1  }
0x13: {  	[smem:$0x3FB1] =	sst s0;
	s0 =	simm.s32 @!p1 $0x0  }
0x14: {  	s2 =	sld [smem:$0x3F95];
	s0 =	simm.s32 @p1 $0x1  }
0x15: {  	[smem:$0x3FB2] =	sst s0;
	s0 =	simm.s32 @!p2 $0x0  }
0x16: {  	s3 =	sld [smem:$0x3FDB];
	s0 =	simm.s32 @p2 $0x1  }
0x17: {  	s4 =	simm.s32 $0x1BF5;
	[smem:$0x3FB4] =	sst s0  }
0x18: {  	s0 =	sld [smem:$0x3F97];
	_ =	swait.ge [sflag:s4], $0x0  }
0x19: {  	s7 =	sld [smem:$0x3F98]  }
0x1a: {  	s8 =	sadd.s32 $0xFFFFE003, lr  }
0x1b: {  	s9 =	sadd.s32 $0xFFFFFEF7, lr;
	s5 =	simm.s32 $0xFFFFFFFF;
	p2 =	slt.u32 s8, $0xFFFFF086  }
0x1c: {  	p1 =	slt.u32 s9, $0xF7A;
	s5 =	simm.s32 @!p2 $0x0  }
0x1d: {  	s5 =	simm.s32 @p1 $0x1;
	p0 =	seq.s32 s7, s2  }
0x1e: {  	s7 =	smul.u32 @!p0 $0xF7A, s2;
	p2 =	seq.s32 @!p0 s5, $0x0  }
0x1f: {  	s9 =	smul.u32 $0xF7A, s1;
	s8 =	simm.s32 @!p0 $0x1BF5;
	p2 =	por !p2, p0  }
0x20: {  	[sflag:s8] =	ssyncset.s32 @!p0 $0xFFFFF086;
	s6 =	sadd.s32 @!p0 s3, s7;
	s7 =	simm.s32 @!p0 $0x108  }
0x21: {  	s3 =	sadd.s32 s3, s9;
	s6 =	sadd.s32 @!p0 $0x88, s6;
	s7 =	simm.s32 @p2 $0x1082  }
0x22: {  	[simem:s7], [sflag:s8] =	dma.local @!p0 [hbm:s6], $0xF7A  }
0x23: {  	s9 =	sor.u32 $0xD0000000, s2;
	s6 =	simm.s32 $0x108;
	_ =	swait.ge @!p0 [sflag:s8], $0x0  }
0x24: {  	s3 =	sadd.s32 $0x88, s3;
	s6 =	simm.s32 @!p1 $0x1082;
	[sflag:s4] =	ssyncset.s32 $0xFFFFF086  }
0x25: {  	[simem:s6], [sflag:s4] =	dma.local [hbm:s3], $0xF7A  }
0x26: {  	[smem:$0x3F98] =	sst s1;
	(tag) =	ssettag s2;
	_ =	strace s9  }
0x27: {  	s1 =	sld [smem:$0x3FA8]  }
0x28: {  	s2 =	sld [smem:$0x3FA9]  }
0x29: {  	s4 =	sld [smem:$0x3FAB]  }
0x2a: {  	p0 =	seq.s32 s5, $0x0;
	s5 =	sld [smem:$0x3FAC]  }
0x2b: {  	s6 =	sld [smem:$0x3FAD]  }
0x2c: {  	s7 =	sld [smem:$0x3FAE]  }
0x2d: {  	s3 =	simm.s32 $0x108;
	s8 =	sld [smem:$0x3FAF]  }
0x2e: {  	s3 =	simm.s32 @!p0 $0x1082;
	s9 =	sld [smem:$0x3FB0]  }
0x2f: {  	lr =	sadd.s32 s0, s3;
	s0 =	sld [smem:$0x3FA7]  }
0x30: {  	s3 =	sld [smem:$0x3FAA]  }
0x31: {  	[smem:$0x3FB3] =	sst s10  }
0x32: {  	s10 =	sld [smem:$0x3FB1];
	_ =	sdelay $0x3  }
0x33: {  	p0 =	seq.s32 s10, $0x1;
	s10 =	sld [smem:$0x3FB3];
	_ =	sdelay $0x3  }
0x34: {  	[smem:$0x3FB3] =	sst s10  }
0x35: {  	s10 =	sld [smem:$0x3FB2];
	_ =	sdelay $0x3  }
0x36: {  	p1 =	seq.s32 s10, $0x1;
	s10 =	sld [smem:$0x3FB3];
	_ =	sdelay $0x3  }
0x37: {  	[smem:$0x3FB3] =	sst s10  }
0x38: {  	s10 =	sld [smem:$0x3FB4]  }
0x39: {  	_ = 	snop;
	(pc) =	sbr.ind lr, $3  }
0x3a: {  	_ = 	snop  }
0x3b: {  	_ = 	snop  }
0x3c: {  	p2 =	seq.s32 s10, $0x1;
	s10 =	sld [smem:$0x3FB3]  }
0x3d: {  	_ =	shalt  }
0x3e: {  	_ =	shalt  }
0x3f: {  	_ =	shalt  }
0x40: {  	_ =	shalt  }
0x41: {  	_ =	shalt  }
0x42: {  	_ =	shalt  }
0x43: {  	_ =	shalt  }
0x44: {  	_ =	shalt  }
0x45: {  	_ =	shalt  }
0x46: {  	_ =	shalt  }
0x47: {  	_ =	shalt  }
0x48: {  	_ =	shalt  }
0x49: {  	_ =	shalt  }
0x4a: {  	_ =	shalt  }
0x4b: {  	_ =	shalt  }
0x4c: {  	_ =	shalt  }
0x4d: {  	_ =	shalt  }
0x4e: {  	_ =	shalt  }
0x4f: {  	_ =	shalt  }
0x50: {  	_ =	shalt  }
0x51: {  	_ =	shalt  }
0x52: {  	_ =	shalt  }
0x53: {  	_ =	shalt  }
0x54: {  	_ =	shalt  }
0x55: {  	_ =	shalt  }
0x56: {  	_ =	shalt  }
0x57: {  	_ =	shalt  }
0x58: {  	_ =	shalt  }
0x59: {  	_ =	shalt  }
0x5a: {  	_ =	shalt  }
0x5b: {  	_ =	shalt  }
0x5c: {  	_ =	shalt  }
0x5d: {  	_ =	shalt  }
0x5e: {  	_ =	shalt  }
0x5f: {  	_ =	shalt  }
0x60: {  	_ =	shalt  }
0x61: {  	_ =	shalt  }
0x62: {  	_ =	shalt  }
0x63: {  	_ =	shalt  }
0x64: {  	_ =	shalt  }
0x65: {  	_ =	shalt  }
0x66: {  	_ =	shalt  }
0x67: {  	_ =	shalt  }
0x68: {  	_ =	shalt  }
0x69: {  	_ =	shalt  }
0x6a: {  	_ =	shalt  }
0x6b: {  	_ =	shalt  }
0x6c: {  	_ =	shalt  }
0x6d: {  	_ =	shalt  }
0x6e: {  	_ =	shalt  }
0x6f: {  	_ =	shalt  }
0x70: {  	_ =	shalt  }
0x71: {  	_ =	shalt  }
0x72: {  	_ =	shalt  }
0x73: {  	_ =	shalt  }
0x74: {  	_ =	shalt  }
0x75: {  	_ =	shalt  }
0x76: {  	_ =	shalt  }
0x77: {  	_ =	shalt  }
0x78: {  	_ =	shalt  }
0x79: {  	_ =	shalt  }
0x7a: {  	_ =	shalt  }
0x7b: {  	_ =	shalt  }
0x7c: {  	_ =	shalt  }
0x7d: {  	_ =	shalt  }
0x7e: {  	_ =	shalt  }
0x7f: {  	_ =	shalt  }
0x80: {  	_ =	shalt  }
0x81: {  	_ =	shalt  }
0x82: {  	_ =	shalt  }
0x83: {  	_ =	shalt  }
0x84: {  	_ =	shalt  }
0x85: {  	_ =	shalt  }
0x86: {  	_ =	shalt  }
0x87: {  	_ =	shalt  }
.Lfunc_end0:
.L_simem_size_0:
called_computation_lowered:
.L_overlay_start_0:
0x88: {  	s2 =	sld [smem:$0x3FD9]  }
0x89: {  	s3 =	sld [smem:$0x3FFE];
	_ =	sdelay $0x1  }
0x8a: {  	s1 =	srdreg.scid  }
0x8b: {  	s0 =	sand.u32 $0x1, s1  }
0x8c: {  	s17 =	sshll.u32 s0, $0xA;
	s2 =	sadd.s32 s3, s2  }
0x8d: {  	s2 =	sadd.s32 s2, s17  }
0x8e: {  	[smem:$0x3FBF] =	sst s2  }
0x8f: {  	_ = 	snop  }
0x90: {  	(tm) =	ssettm $0x1  }
0x91: {  	s18 =	sld [smem:$0x3FFB];
	_ =	sdelay $0x3  }
0x92: {  	_ =	strace s18  }
0x93: {  	s2 =	sld [smem:$0x3FFC];
	_ =	sdelay $0x3  }
0x94: {  	_ =	strace s2  }
0x95: {  	s2 =	sld [smem:$0x3FFD];
	_ =	sdelay $0x3  }
0x96: {  	_ =	strace s2  }
0x97: {  	_ =	strace $0x8FFFFFFF  }
0x98: {  	s19 =	sld [smem:$0x3FDB];
	_ =	sdelay $0x1  }
0x99: {  	s20 =	simm.s32 $_scs_section_size  }
0x9a: {  	s4 =	simm.s32 $_size__tile_overlayer_lowered;
	s5 =	simm.s32 $_tile_overlayer_lowered  }
0x9b: {  	s6 =	simm.s32 $0x1BFF;
	s21 =	sshll.u32 s5, $0x1;
	s3 =	sadd.s32 s20, s19  }
0x9c: {  	s22 =	simm.s32 $0x0;
	s4 =	sshll.u32 s4, $0x1;
	s5 =	sadd.s32 s21, s3  }
0x9d: {  	[timem:s22], [sflag:s6] =	dma.local [hbm:s5], s4  }
0x9e: {  	_ =	swait.ge [sflag:s6], s4  }
0x9f: {  	s4 =	ssub.s32 $0x0, s4;
	[sflag:s6] =	ssyncset.done $0x0  }
0xa0: {  	[sflag:s6] =	ssyncadd.s32 s4;
	_ =	sdelay $0x1  }
0xa1: {  	s23 =	simm.s32 $0x1B8B  }
0xa2: {  	_ =	swait.ge [sflag:s23], $0x1  }
0xa3: {  	[sflag:s23] =	ssyncset.done $0x0  }
0xa4: {  	[sflag:s23] =	ssyncadd.s32 $0xFFFFFFFF  }
0xa5: {  	s4 =	sld [smem:$0x0]  }
0xa6: {  	s5 =	sand.u32 $0xFFFFFFFE, s1  }
0xa7: {  	p0 =	sne.s32 s1, s5  }
0xa8: {  	s5 =	sshll.u32 @p0 s5, $0xE  }
0xa9: {  	s5 =	sadd.s32 @p0 $0x11B8D, s5;
	s6 =	sshll.u32 @p0 s4, $0x11  }
0xaa: {  	s5 =	sor.u32 @p0 s6, s5  }
0xab: {  	[sflag:s5] =	ssyncadd.remote.s32 @p0 $0x1;
	_ =	sdelay $0x1  }
0xac: {  	s5 =	simm.s32 @p0 $0x1B8D  }
0xad: {  	_ =	swait.eq @p0 [sflag:s5], $0x1  }
0xae: {  	[sflag:s5] =	ssyncadd.s32 @p0 $0xFFFFFFFF  }
0xaf: {  	s6 =	sshll.u32 @!p0 s1, $0xE  }
0xb0: {  	s6 =	sor.u32 @!p0 $0x4000, s6;
	s5 =	simm.s32 @!p0 $0x1B8D  }
0xb1: {  	s4 =	sshll.u32 @!p0 s4, $0x11;
	s6 =	sadd.s32 @!p0 $0x11B8D, s6;
	_ =	swait.eq @!p0 [sflag:s5], $0x1  }
0xb2: {  	s4 =	sor.u32 @!p0 s4, s6;
	[sflag:s5] =	ssyncadd.s32 @!p0 $0xFFFFFFFF  }
0xb3: {  	s25 =	simm.s32 $0x1B8E;
	s24 =	sld [smem:$0x3FFE];
	[sflag:s4] =	ssyncadd.remote.s32 @!p0 $0x1  }
0xb4: {  	s26 =	simm.s32 $execute0_lowered;
	[smem:$0x3FD2] =	sst s25  }
0xb5: {  	s5 =	sshll.u32 s26, $0x1;
	_ =	strace $0x80000049;
	[dreg:$0x1] =	wrdreg $0xFFFFFFFF  }
0xb6: {  	s28 =	simm.s32 $_size_execute0_lowered;
	s3 =	sadd.s32 s3, s5;
	[dreg:$0x0] =	wrdreg $0x0  }
0xb7: {  	s5 =	sshll.u32 s28, $0x1;
	[dreg:$0x2] =	wrdreg s3  }
0xb8: {  	[dreg:$0x3] =	wrdreg s5  }
0xb9: {  	[dreg:$0x4] =	wrdreg $0xC0  }
0xba: {  	_ =	task [dreg:s22], $0x5FFFF  }
0xbb: {  	[dreg:$0x1] =	wrdreg $0xFFFFFFFF  }
0xbc: {  	[dreg:$0x0] =	wrdreg $0x60  }
0xbd: {  	[dreg:$0x2] =	wrdreg s24  }
0xbe: {  	[dreg:$0x3] =	wrdreg $0x9  }
0xbf: {  	_ =	task.clear_ibuf [dreg:s22], $0x4FFFF;
	_ =	strace $0x90000049  }
0xc0: {  	s29 =	simm.s32 $0x9;
	_ =	strace $0x8000004B  }
0xc1: {  	_ =	swait.ge [sflag:s29], $0x1  }
0xc2: {  	[sflag:s29] =	ssyncadd.s32 $0xFFFFFFFF  }
0xc3: {  	_ =	strace $0x9000004B  }
0xc4: {  	_ =	sfence  }
0xc5: {  	s30 =	sld [smem:$0x0];
	_ =	sdelay $0x2  }
0xc6: {  	s31 =	sshll.u32 s1, $0xD;
	s1 =	sshrl.u32 s1, $0x2  }
0xc7: {  	s4 =	sand.u32 $0x4000, s31;
	s1 =	sadd.s32 s1, s30  }
0xc8: {  	s0 =	sor.u32 s4, s0;
	s1 =	sshll.u32 s1, $0x11  }
0xc9: {  	s0 =	sor.u32 s1, s0  }
0xca: {  	s0 =	sadd.s32 $0x8F2B, s0  }
0xcb: {  	[sflag:s0] =	ssyncadd.remote.s32 $0x1  }
0xcc: {  	_ =	sfence.sel $0xFFFF  }
0xcd: {  	[dreg:$0x0] =	wrdreg $0xFFFFFFFF;
	(pc) =	sbr.abs _section_cstart, $3  }
0xce: {  	[dreg:$0x1] =	wrdreg $0xFFFFFFFF  }
0xcf: {  	_ =	task.clear_ibuf [dreg:s22], $0x2FFFF;
	_ =	strace $0x9FFFFFFF  }
0xd0: {  	(tm) =	ssettm $0x7FFFFFFF  }
0xd1: {  	_ =	shalt  }
tec
execute0_lowered:
.L_overlay_start_1:
0x0: {  	(tag) =	ssettag $0x1  }
0x1: {  	s0 =	srdreg.scid  }
0x2: {  	s1 =	stileid.u32;
	s4 =	rddreg [dreg:$0x0];
	s2 =	simm.s32 $0x0  }
0x3: {  	s11 =	simm.s32 $0x2;
	s12 =	simm.s32 $0x80;
	s14 =	simm.s32 $0x4500  }
0x4: {  	s16 =	simm.s32 $0x5500;
	s17 =	simm.s32 $0x4100;
	s18 =	simm.s32 $0x6500  }
0x5: {  	s19 =	simm.s32 $0x4180;
	s20 =	simm.s32 $0x7500;
	s28 =	simm.s32 $0x4380  }
0x6: {  	s29 =	simm.s32 $0xB500;
	s30 =	simm.s32 $0x4400;
	s31 =	simm.s32 $0xC500  }
0x7: {  	s0 =	sand.u32 $0x1, s0;
	s1 =	sshll.u32 s1, $0x1;
	[smem:$0x7FF] =	sst s2  }
0x8: {  	s5 =	sadd.s32 $0x54EE00, s4;
	s1 =	sor.u32 s0, s1;
	_ =	strace $0x8000004A  }
0x9: {  	s0 =	ssub.s32 $0x2, s0;
	[dreg:$0x2] =	wrdreg s5;
	s5 =	sadd.s32 $0x5CFE00, s4  }
0xa: {  	s3 =	smul.u32 $0x600, s1;
	s24 =	sshll.u32 s1, $0x9;
	s9 =	sshrl.u32 s0, $0x1  }
0xb: {  	s7 =	sshll.u32 s1, $0xB;
	s8 =	sadd.s32 s24, s4;
	s0 =	ssub.s32 s0, s9  }
0xc: {  	s9 =	simm.s32 $0x0;
	s6 =	sadd.s32 s3, s4;
	s3 =	sadd.s32 $0x5BEE00, s4  }
0xd: {  	s4 =	sadd.s32 s7, s4;
	s7 =	smul.u32 $0x2800, s1;
	s25 =	sadd.s32 $0x2E00, s8  }
0xe: {  	s0 =	smax.u32 s0, $0x1;
	s1 =	simm.s32 $0x4480;
	[dreg:$0x4] =	wrdreg s25  }
0xf: {  	s8 =	simm.s32 $0x3000;
	s6 =	sadd.s32 $0x542E00, s6;
	[dreg:$0x6] =	wrdreg s0  }
0x10: {  	v0 =	vlaneseq.u32;
	s26 =	sadd.s32 $0x5BFE00, s4;
	s0 =	simm.s32 $0xD500;
	[dreg:$0x3] =	wrdreg s6  }
0x11: {  	v1 =	vand.u32 $0x3, v0;
	v2 =	vmul.u32 $0x8, v0;
	[dreg:$0x5] =	wrdreg s26;
	s26 =	simm.s32 $0xA500;
	s6 =	simm.s32 $0x1  }
.LBB2_1:
0x12: {  	[dreg:$0x7] =	wrdreg s9  }
0x13: {  	s4 =	rddreg [dreg:$0x3]  }
0x14: {  	[tilespmem:s2], [sflag:$0x2] =	stream.linear.gather [hbm4b:s4+s2], $0x3000, $0x38;
	[tilespmem:$0xE500] =	vst v63  }
0x15: {  	_ =	swait.ge [sflag:s11], $0x3000  }
0x16: {  	[sflag:s11] =	ssyncset.done $0x0  }
0x17: {  	s10 =	simm.s32 $0x0;
	s4 =	simm.s32 $0x0;
	[sflag:s11] =	ssyncadd.s32 $0xFFFFD000  }
.LBB2_2:
0x18: {  	v3 =	vmov s10  }
0x19: {  	v3 =	vshrl.u32 v3, $0x5  }
0x1a: {  	v4 =	vmul.u32 $0xCCCD, v3;
	_ =	sdelay $0x1  }
0x1b: {  	v5 =	vor.u32 s10, v0;
	v4 =	vshrl.u32 v4, $0x12  }
0x1c: {  	s9 =	sadd.s32 $0x10, s10;
	v5 =	vshrl.u32 v5, $0x2;
	v6 =	vmul.u32 $0x3FFFFFFB, v4  }
0x1d: {  	v7 =	vmov s9;
	v5 =	vand.u32 $0x7, v5  }
0x1e: {  	v4 =	vshll.u32 v4, $0x3;
	v3 =	vadd.s32 v3, v6;
	v6 =	vshrl.u32 v7, $0x5  }
0x1f: {  	v4 =	vor.u32 v5, v4;
	v3 =	vshll.u32 v3, $0x2;
	v5 =	vmul.u32 $0xCCCD, v6  }
0x20: {  	v8 =	vor.u32 s9, v0;
	v4 =	vmul.u32 $0x18, v4;
	v7 =	vor.u32 v1, v3  }
0x21: {  	v3 =	vand.u32 $0xFFFFFFF8, v3;
	v7 =	vand.u32 $0x7, v7;
	v5 =	vshrl.u32 v5, $0x12  }
0x22: {  	v3 =	vadd.s32 v4, v3;
	v4 =	vshrl.u32 v8, $0x2;
	v8 =	vmul.u32 $0x3FFFFFFB, v5  }
0x23: {  	s13 =	sadd.s32 $0x10, s9;
	v7 =	vor.u32 v7, v3;
	v3 =	vand.u32 $0x7, v4;
	v5 =	vshll.u32 v5, $0x3  }
0x24: {  	v4 =	vmov s13;
	v3 =	vor.u32 v3, v5;
	v6 =	vadd.s32 v6, v8  }
0x25: {  	v8 =	vshrl.u32 v4, $0x5;
	v3 =	vmul.u32 $0x18, v3;
	v4 =	vshll.u32 v6, $0x2  }
0x26: {  	v9 =	vor.u32 s13, v0;
	v6 =	vor.u32 v1, v4;
	v4 =	vand.u32 $0xFFFFFFF8, v4  }
0x27: {  	v5 =	vmul.u32 $0xCCCD, v8;
	v3 =	vadd.s32 v3, v4;
	v4 =	vshrl.u32 v9, $0x2  }
0x28: {  	v6 =	vand.u32 $0x7, v6;
	v10 =	vand.u32 $0x7, v4;
	v4 =	vld.idx.msk [tilespmem:v7+s2+$0x0], $0xffff  }
0x29: {  	v5 =	vshrl.u32 v5, $0x12;
	v3 =	vor.u32 v6, v3  }
0x2a: {  	s23 =	simm.s32 $0x40;
	v63 =	vmul.u32 $0x3FFFFFFB, v5  }
0x2b: {  	s21 =	simm.s32 $0x80;
	s22 =	simm.s32 $0xC0;
	s13 =	sadd.s32 $0x10, s13;
	v11 =	vshll.u32 v5, $0x3  }
0x2c: {  	s24 =	simm.s32 $0x100;
	s25 =	simm.s32 $0x0;
	s9 =	smul.u32 $0x500, s4;
	v5 =	vmov s13;
	v7 =	vor.u32 v10, v11;
	v6 =	vadd.s32 v8, v63  }
.LBB2_3:
0x2d: {  	p0 =	sne.s32 s24, $0x13C0;
	v8 =	vshrl.u32 v5, $0x5;
	v5 =	vshll.u32 v6, $0x2;
	v6 =	vmul.u32 $0x18, v7;
	[tilespmem:s25+$0x4000] =	vst v4;
	s15 =	smov.u32 s21;
	s21 =	smov.u32 s22  }
0x2e: {  	s22 =	smov.u32 s24;
	v7 =	vmul.u32 $0xCCCD, v8;
	v9 =	vor.u32 v1, v5;
	v5 =	vand.u32 $0xFFFFFFF8, v5;
	v4 =	vld.idx.msk [tilespmem:v3+s2+$0x0], $0xffff  }
.Ltmp0:
0x2f: {  	v3 =	vand.u32 $0x7, v9;
	v5 =	vadd.s32 v6, v5;
	(pc) =	sbr.rel @p0 .LBB2_3-.Ltmp0, $4  }
0x30: {  	v6 =	vor.u32 s13, v0;
	v7 =	vshrl.u32 v7, $0x12;
	v3 =	vor.u32 v3, v5  }
0x31: {  	v5 =	vshrl.u32 v6, $0x2;
	v6 =	vmul.u32 $0x3FFFFFFB, v7  }
0x32: {  	s13 =	sadd.s32 $0x10, s13;
	v9 =	vand.u32 $0x7, v5;
	v7 =	vshll.u32 v7, $0x3  }
0x33: {  	s24 =	sadd.s32 $0x40, s24;
	s25 =	sshra.s32 s23, $0x2;
	s23 =	smov.u32 s15;
	v5 =	vmov s13;
	v7 =	vor.u32 v9, v7;
	v6 =	vadd.s32 v8, v6  }
0x34: {  	_ = 	snop  }
0x35: {  	v5 =	vshrl.u32 v5, $0x5  }
0x36: {  	v6 =	vshll.u32 v6, $0x2;
	v7 =	vmul.u32 $0x18, v7;
	v8 =	vmul.u32 $0xCCCD, v5  }
0x37: {  	[tilespmem:s25+$0x4000] =	vst v4;
	v61 =	vor.u32 s13, v0;
	v9 =	vor.u32 v1, v6;
	v6 =	vand.u32 $0xFFFFFFF8, v6  }
0x38: {  	v3 =	vld.idx.msk [tilespmem:v3+s2+$0x0], $0xffff;
	v6 =	vadd.s32 v7, v6;
	v62 =	vand.u32 $0x7, v9;
	v8 =	vshrl.u32 v8, $0x12  }
0x39: {  	v4 =	vshrl.u32 v61, $0x2;
	v6 =	vor.u32 v62, v6;
	v63 =	vmul.u32 $0x3FFFFFFB, v8  }
0x3a: {  	v4 =	vand.u32 $0x7, v4;
	v8 =	vshll.u32 v8, $0x3  }
0x3b: {  	v4 =	vor.u32 v4, v8;
	v5 =	vadd.s32 v5, v63  }
0x3c: {  	s23 =	sshra.s32 s23, $0x2;
	v4 =	vmul.u32 $0x18, v4;
	v5 =	vshll.u32 v5, $0x2  }
0x3d: {  	[tilespmem:s23+$0x4000] =	vst v3;
	v3 =	vor.u32 v1, v5;
	v5 =	vand.u32 $0xFFFFFFF8, v5  }
0x3e: {  	v6 =	vld.idx.msk [tilespmem:v6+s2+$0x0], $0xffff;
	v3 =	vand.u32 $0x7, v3;
	v4 =	vadd.s32 v4, v5  }
0x3f: {  	v3 =	vor.u32 v3, v4;
	_ =	sdelay $0x2  }
0x40: {  	s24 =	sshra.s32 s21, $0x2  }
0x41: {  	[tilespmem:s24+$0x4000] =	vst v6  }
0x42: {  	v3 =	vld.idx.msk [tilespmem:v3+s2+$0x0], $0xffff;
	_ =	sdelay $0x3  }
0x43: {  	s25 =	sshra.s32 s22, $0x2  }
0x44: {  	s15 =	simm.s32 $0x4000;
	[tilespmem:s25+$0x4000] =	vst v3  }
0x45: {  	[tilespmem:s14], [sflag:$0x1] =	stream.indirect.gather [hbm4b:s3+s12], $0x20, s15, s12, $0xb8;
	[tilespmem:$0xE500] =	vst v63  }
0x46: {  	s21 =	simm.s32 $0x4080  }
0x47: {  	[tilespmem:s16], [sflag:$0x1] =	stream.indirect.gather [hbm4b:s3+s12], $0x20, s21, s12, $0xb8;
	[tilespmem:$0xE500] =	vst v63  }
0x48: {  	_ = 	snop  }
0x49: {  	[tilespmem:s18], [sflag:$0x1] =	stream.indirect.gather [hbm4b:s3+s12], $0x20, s17, s12, $0xb8;
	[tilespmem:$0xE500] =	vst v63  }
0x4a: {  	_ = 	snop  }
0x4b: {  	[tilespmem:s20], [sflag:$0x1] =	stream.indirect.gather [hbm4b:s3+s12], $0x20, s19, s12, $0xb8;
	[tilespmem:$0xE500] =	vst v63  }
0x4c: {  	s22 =	simm.s32 $0x4200;
	s15 =	simm.s32 $0x8500  }
0x4d: {  	[tilespmem:s15], [sflag:$0x1] =	stream.indirect.gather [hbm4b:s3+s12], $0x20, s22, s12, $0xb8;
	[tilespmem:$0xE500] =	vst v63  }
0x4e: {  	s23 =	simm.s32 $0x4280;
	s24 =	simm.s32 $0x9500  }
0x4f: {  	[tilespmem:s24], [sflag:$0x1] =	stream.indirect.gather [hbm4b:s3+s12], $0x20, s23, s12, $0xb8;
	[tilespmem:$0xE500] =	vst v63  }
0x50: {  	s25 =	simm.s32 $0x4300  }
0x51: {  	[tilespmem:s26], [sflag:$0x1] =	stream.indirect.gather [hbm4b:s3+s12], $0x20, s25, s12, $0xb8;
	[tilespmem:$0xE500] =	vst v63  }
0x52: {  	_ = 	snop  }
0x53: {  	[tilespmem:s29], [sflag:$0x1] =	stream.indirect.gather [hbm4b:s3+s12], $0x20, s28, s12, $0xb8;
	[tilespmem:$0xE500] =	vst v63  }
0x54: {  	_ = 	snop  }
0x55: {  	[tilespmem:s31], [sflag:$0x1] =	stream.indirect.gather [hbm4b:s3+s12], $0x20, s30, s12, $0xb8;
	[tilespmem:$0xE500] =	vst v63  }
0x56: {  	_ = 	snop  }
0x57: {  	[tilespmem:s0], [sflag:$0x1] =	stream.indirect.gather [hbm4b:s3+s12], $0x20, s1, s12, $0xb8;
	[tilespmem:$0xE500] =	vst v63  }
0x58: {  	_ =	swait.ge [sflag:s6], $0x1000  }
0x59: {  	[sflag:s6] =	ssyncset.done $0x0  }
0x5a: {  	[sflag:s6] =	ssyncadd.s32 $0xFFFFF000  }
0x5b: {  	_ =	swait.ge [sflag:s6], $0x1000  }
0x5c: {  	[sflag:s6] =	ssyncset.done $0x0  }
0x5d: {  	[sflag:s6] =	ssyncadd.s32 $0xFFFFF000  }
0x5e: {  	_ =	swait.ge [sflag:s6], $0x1000  }
0x5f: {  	[sflag:s6] =	ssyncset.done $0x0  }
0x60: {  	[sflag:s6] =	ssyncadd.s32 $0xFFFFF000  }
0x61: {  	_ =	swait.ge [sflag:s6], $0x1000  }
0x62: {  	[sflag:s6] =	ssyncset.done $0x0  }
0x63: {  	[sflag:s6] =	ssyncadd.s32 $0xFFFFF000  }
0x64: {  	_ =	swait.ge [sflag:s6], $0x1000  }
0x65: {  	[sflag:s6] =	ssyncset.done $0x0  }
0x66: {  	[sflag:s6] =	ssyncadd.s32 $0xFFFFF000  }
0x67: {  	_ =	swait.ge [sflag:s6], $0x1000  }
0x68: {  	[sflag:s6] =	ssyncset.done $0x0  }
0x69: {  	[sflag:s6] =	ssyncadd.s32 $0xFFFFF000  }
0x6a: {  	_ =	swait.ge [sflag:s6], $0x1000  }
0x6b: {  	[sflag:s6] =	ssyncset.done $0x0  }
0x6c: {  	[sflag:s6] =	ssyncadd.s32 $0xFFFFF000  }
0x6d: {  	_ =	swait.ge [sflag:s6], $0x1000  }
0x6e: {  	[sflag:s6] =	ssyncset.done $0x0  }
0x6f: {  	[sflag:s6] =	ssyncadd.s32 $0xFFFFF000  }
0x70: {  	_ =	swait.ge [sflag:s6], $0x1000  }
0x71: {  	[sflag:s6] =	ssyncset.done $0x0  }
0x72: {  	[sflag:s6] =	ssyncadd.s32 $0xFFFFF000  }
0x73: {  	s9 =	sadd.s32 s7, s9;
	s4 =	sadd.s32 $0x1, s4;
	_ =	swait.ge [sflag:s6], $0x1000  }
0x74: {  	s9 =	sshll.u32 s9, $0x2;
	p0 =	sne.s32 s4, $0x8;
	[sflag:s6] =	ssyncset.done $0x0  }
.Ltmp1:
0x75: {  	s9 =	sadd.s32 s5, s9;
	[sflag:s6] =	ssyncadd.s32 $0xFFFFF000;
	(pc) =	sbr.rel @p0 .LBB2_2-.Ltmp1, $4  }
0x76: {  	[hbm4b:s9+s2] =	stream.linear.scatter [tilespmem:s14], [sflag:$0x2], $0xA000, $0x38;
	[tilespmem:$0xE500] =	vst v63  }
0x77: {  	_ =	swait.ge [sflag:s11], $0xA000  }
0x78: {  	[sflag:s11] =	ssyncset.done $0x0  }
0x79: {  	s10 =	sadd.s32 $0x500, s10;
	[sflag:s11] =	ssyncadd.s32 $0xFFFF6000  }
0x7a: {  	s4 =	simm.s32 $0x0  }
0x7b: {  	v3 =	vmov s4  }
0x7c: {  	v3 =	vshll.u32 v3, $0x3  }
0x7d: {  	s9 =	rddreg [dreg:$0x4];
	v3 =	vor.u32 v2, v3  }
0x7e: {  	[tilespmem:s8], [sflag:$0x2] =	stream.linear.gather [hbm4b:s9+s4], $0x1000, $0x38;
	[tilespmem:$0xE500] =	vst v63  }
0x7f: {  	_ =	swait.ge [sflag:s11], $0x1000  }
0x80: {  	[sflag:s11] =	ssyncset.done $0x0  }
0x81: {  	[sflag:s11] =	ssyncadd.s32 $0xFFFFF000  }
0x82: {  	v3 =	vld.idx.msk [tilespmem:v3+s8+$0x0], $0xffff;
	_ =	sdelay $0x1  }
0x83: {  	s24 =	simm.s32 $0x10  }
0x84: {  	v4 =	vmov s24  }
0x85: {  	v4 =	vshll.u32 v4, $0x3  }
0x86: {  	v4 =	vor.u32 v2, v4;
	v5 =	vshll.u32 v3, $0x2  }
0x87: {  	v6 =	vand.u32 $0xFFFFC000, v3;
	v3 =	vshrl.u32 v3, $0xC;
	v5 =	vand.u32 $0x3FFC, v5  }
0x88: {  	v3 =	vand.u32 $0x3, v3;
	v5 =	vor.u32 v6, v5  }
0x89: {  	s4 =	simm.s32 $0x4000;
	v3 =	vor.u32 v3, v5  }
0x8a: {  	[tilespmem:s4+$0x0] =	vst v3  }
0x8b: {  	v3 =	vld.idx.msk [tilespmem:v4+s8+$0x0], $0xffff;
	_ =	sdelay $0x1  }
0x8c: {  	s25 =	simm.s32 $0x20  }
0x8d: {  	s9 =	simm.s32 $0x30;
	v4 =	vmov s25  }
.LBB2_6:
0x8e: {  	p0 =	sne.s32 s9, $0x1F0;
	v4 =	vshll.u32 v4, $0x3  }
0x8f: {  	v5 =	vshll.u32 v3, $0x2;
	v4 =	vor.u32 v2, v4  }
0x90: {  	v6 =	vand.u32 $0xFFFFC000, v3;
	v3 =	vshrl.u32 v3, $0xC;
	v5 =	vand.u32 $0x3FFC, v5  }
0x91: {  	v3 =	vand.u32 $0x3, v3;
	v5 =	vor.u32 v6, v5  }
0x92: {  	s4 =	sadd.s32 $0x10, s4;
	v3 =	vor.u32 v3, v5  }
0x93: {  	[tilespmem:s4+$0x0] =	vst v3  }
.Ltmp2:
0x94: {  	v3 =	vld.idx.msk [tilespmem:v4+s8+$0x0], $0xffff;
	(pc) =	sbr.rel @p0 .LBB2_6-.Ltmp2, $2  }
0x95: {  	_ =	sdelay $0x2  }
0x96: {  	v4 =	vmov s9;
	s9 =	sadd.s32 $0x10, s9  }
0x97: {  	v4 =	vshll.u32 v4, $0x3  }
0x98: {  	v5 =	vshll.u32 v3, $0x2;
	v4 =	vor.u32 v2, v4  }
0x99: {  	v6 =	vand.u32 $0xFFFFC000, v3;
	v3 =	vshrl.u32 v3, $0xC;
	v5 =	vand.u32 $0x3FFC, v5  }
0x9a: {  	v3 =	vand.u32 $0x3, v3;
	v5 =	vor.u32 v6, v5  }
0x9b: {  	s4 =	sadd.s32 $0x10, s4;
	v3 =	vor.u32 v3, v5  }
0x9c: {  	[tilespmem:s4+$0x0] =	vst v3  }
0x9d: {  	v3 =	vld.idx.msk [tilespmem:v4+s8+$0x0], $0xffff;
	_ =	sdelay $0x4  }
0x9e: {  	v4 =	vshll.u32 v3, $0x2  }
0x9f: {  	v63 =	vand.u32 $0xFFFFC000, v3;
	v3 =	vshrl.u32 v3, $0xC;
	v4 =	vand.u32 $0x3FFC, v4  }
0xa0: {  	v3 =	vand.u32 $0x3, v3;
	v4 =	vor.u32 v63, v4  }
0xa1: {  	s4 =	sadd.s32 $0x10, s4;
	v3 =	vor.u32 v3, v4  }
0xa2: {  	s21 =	rddreg [dreg:$0x2];
	s9 =	simm.s32 $0x4000;
	[tilespmem:s4+$0x0] =	vst v3  }
0xa3: {  	[tilespmem:s14], [sflag:$0x1] =	stream.indirect.gather [hbm4b:s21+s12], $0x20, s9, s12, $0xb8;
	[tilespmem:$0xE500] =	vst v63  }
0xa4: {  	s22 =	simm.s32 $0x4080  }
0xa5: {  	[tilespmem:s16], [sflag:$0x1] =	stream.indirect.gather [hbm4b:s21+s12], $0x20, s22, s12, $0xb8;
	[tilespmem:$0xE500] =	vst v63  }
0xa6: {  	_ = 	snop  }
0xa7: {  	[tilespmem:s18], [sflag:$0x1] =	stream.indirect.gather [hbm4b:s21+s12], $0x20, s17, s12, $0xb8;
	[tilespmem:$0xE500] =	vst v63  }
0xa8: {  	_ = 	snop  }
0xa9: {  	[tilespmem:s20], [sflag:$0x1] =	stream.indirect.gather [hbm4b:s21+s12], $0x20, s19, s12, $0xb8;
	[tilespmem:$0xE500] =	vst v63  }
0xaa: {  	_ =	swait.ge [sflag:s6], $0x1000  }
0xab: {  	[sflag:s6] =	ssyncset.done $0x0  }
0xac: {  	[sflag:s6] =	ssyncadd.s32 $0xFFFFF000  }
0xad: {  	_ =	swait.ge [sflag:s6], $0x1000  }
0xae: {  	[sflag:s6] =	ssyncset.done $0x0  }
0xaf: {  	[sflag:s6] =	ssyncadd.s32 $0xFFFFF000  }
0xb0: {  	_ =	swait.ge [sflag:s6], $0x1000  }
0xb1: {  	[sflag:s6] =	ssyncset.done $0x0  }
0xb2: {  	[sflag:s6] =	ssyncadd.s32 $0xFFFFF000  }
0xb3: {  	_ =	swait.ge [sflag:s6], $0x1000  }
0xb4: {  	[sflag:s6] =	ssyncset.done $0x0  }
0xb5: {  	s23 =	rddreg [dreg:$0x5];
	[sflag:s6] =	ssyncadd.s32 $0xFFFFF000  }
0xb6: {  	[hbm4b:s23+s2] =	stream.linear.scatter [tilespmem:s14], [sflag:$0x2], $0x4000, $0x38;
	[tilespmem:$0xE500] =	vst v63  }
0xb7: {  	_ =	swait.ge [sflag:s11], $0x4000  }
0xb8: {  	s24 =	rddreg [dreg:$0x7]  }
0xb9: {  	s25 =	rddreg [dreg:$0x6];
	s9 =	sadd.s32 $0x1, s24  }
0xba: {  	p0 =	sne.s32 s9, s25  }
.Ltmp3:
0xbb: {  	_ = 	snop;
	(pc) =	sbr.rel @p0 .LBB2_1-.Ltmp3, $3  }
0xbc: {  	_ =	sdelay $0x1  }
0xbd: {  	[sflag:s11] =	ssyncset.done $0x0  }
0xbe: {  	[sflag:s11] =	ssyncadd.s32 $0xFFFFC000  }
0xbf: {  	_ =	sfence.sel $0x180000  }
0xc0: {  	[bflag:$0x0] =	sbarrier.arrive $0xFFFF  }
0xc1: {  	_ =	strace $0x9000004A  }
0xc2: {  	s0 =	stileid.u32;
	[bflag:$0x2] =	sbarrier.arrive $0xFFFF  }
0xc3: {  	p0 =	sne.s32 s0, $0x0;
	s0 =	rddreg [dreg:$0x1]  }
0xc4: {  	s0 =	sadd.s32 @!p0 $0x100000, s0  }
0xc5: {  	[sflag:s0] =	ssyncadd.tile.s32 @!p0 $0x1;
	_ =	shalt  }
.Lfunc_end2:
_tile_overlayer_lowered:
.L_overlay_start_2:
0xc6: {  	(tag) =	ssettag $0x2  }
0xc7: {  	s0 =	rddreg [dreg:$0x0];
	s2 =	stileid.u32  }
0xc8: {  	s1 =	rddreg [dreg:$0x1];
	p0 =	sne.s32 s2, $0x0  }
0xc9: {  	s3 =	rddreg [dreg:$0x2];
	[bflag:$0x3] =	sbarrier.arrive $0xFFFF;
	s2 =	simm.s32 @!p0 $0x1C02  }
0xca: {  	[timem:s3], [sflag:s2] =	dma.local @!p0 [hbm:s0], s1  }
0xcb: {  	s0 =	simm.s32 @!p0 $0x2  }
0xcc: {  	_ =	swait.ge @!p0 [sflag:s0], s1  }
0xcd: {  	s1 =	ssub.s32 @!p0 $0x0, s1;
	[sflag:s0] =	ssyncset.done @!p0 $0x0  }
0xce: {  	[sflag:s0] =	ssyncadd.s32 @!p0 s1  }
0xcf: {  	[bflag:$0x3] =	sbarrier.arrive $0xFFFF  }
0xd0: {  	_ =	shalt  }

// kernel: sc_tail_item.3.cloned.1.call-start
scs
__scs_entry_jumppad:
0x0: {  	(pc) =	sbr.rel $0x88, $3  }
0x1: {  	(tag) =	ssettag $0x0;
	lr =	simm.s32 $0x1  }
0x2: {  	[smem:$0x3F98] =	sst lr;
	_ =	strace $0xD0000000  }
0x3: {  	_ = 	snop  }
0x4: {  	_ = 	snop  }
0x5: {  	_ = 	snop  }
0x6: {  	_ = 	snop  }
0x7: {  	_ = 	snop  }
__scs_overlays_trampoline_lowered:
0x8: {  	[smem:$0x3FA7] =	sst s0  }
0x9: {  	[smem:$0x3FA8] =	sst s1  }
0xa: {  	[smem:$0x3FA9] =	sst s2  }
0xb: {  	[smem:$0x3FAA] =	sst s3  }
0xc: {  	[smem:$0x3FAB] =	sst s4  }
0xd: {  	[smem:$0x3FAC] =	sst s5  }
0xe: {  	[smem:$0x3FAD] =	sst s6  }
0xf: {  	[smem:$0x3FAE] =	sst s7  }
0x10: {  	[smem:$0x3FAF] =	sst s8  }
0x11: {  	[smem:$0x3FB0] =	sst s9;
	s0 =	simm.s32 @!p0 $0x0  }
0x12: {  	s1 =	sld [smem:$0x3F96];
	s0 =	simm.s32 @p0 $0x1  }
0x13: {  	[smem:$0x3FB1] =	sst s0;
	s0 =	simm.s32 @!p1 $0x0  }
0x14: {  	s2 =	sld [smem:$0x3F95];
	s0 =	simm.s32 @p1 $0x1  }
0x15: {  	[smem:$0x3FB2] =	sst s0;
	s0 =	simm.s32 @!p2 $0x0  }
0x16: {  	s3 =	sld [smem:$0x3FDB];
	s0 =	simm.s32 @p2 $0x1  }
0x17: {  	s4 =	simm.s32 $0x1BF5;
	[smem:$0x3FB4] =	sst s0  }
0x18: {  	s0 =	sld [smem:$0x3F97];
	_ =	swait.ge [sflag:s4], $0x0  }
0x19: {  	s7 =	sld [smem:$0x3F98]  }
0x1a: {  	s8 =	sadd.s32 $0xFFFFE003, lr  }
0x1b: {  	s9 =	sadd.s32 $0xFFFFFEF7, lr;
	s5 =	simm.s32 $0xFFFFFFFF;
	p2 =	slt.u32 s8, $0xFFFFF086  }
0x1c: {  	p1 =	slt.u32 s9, $0xF7A;
	s5 =	simm.s32 @!p2 $0x0  }
0x1d: {  	s5 =	simm.s32 @p1 $0x1;
	p0 =	seq.s32 s7, s2  }
0x1e: {  	s7 =	smul.u32 @!p0 $0xF7A, s2;
	p2 =	seq.s32 @!p0 s5, $0x0  }
0x1f: {  	s9 =	smul.u32 $0xF7A, s1;
	s8 =	simm.s32 @!p0 $0x1BF5;
	p2 =	por !p2, p0  }
0x20: {  	[sflag:s8] =	ssyncset.s32 @!p0 $0xFFFFF086;
	s6 =	sadd.s32 @!p0 s3, s7;
	s7 =	simm.s32 @!p0 $0x108  }
0x21: {  	s3 =	sadd.s32 s3, s9;
	s6 =	sadd.s32 @!p0 $0x88, s6;
	s7 =	simm.s32 @p2 $0x1082  }
0x22: {  	[simem:s7], [sflag:s8] =	dma.local @!p0 [hbm:s6], $0xF7A  }
0x23: {  	s9 =	sor.u32 $0xD0000000, s2;
	s6 =	simm.s32 $0x108;
	_ =	swait.ge @!p0 [sflag:s8], $0x0  }
0x24: {  	s3 =	sadd.s32 $0x88, s3;
	s6 =	simm.s32 @!p1 $0x1082;
	[sflag:s4] =	ssyncset.s32 $0xFFFFF086  }
0x25: {  	[simem:s6], [sflag:s4] =	dma.local [hbm:s3], $0xF7A  }
0x26: {  	[smem:$0x3F98] =	sst s1;
	(tag) =	ssettag s2;
	_ =	strace s9  }
0x27: {  	s1 =	sld [smem:$0x3FA8]  }
0x28: {  	s2 =	sld [smem:$0x3FA9]  }
0x29: {  	s4 =	sld [smem:$0x3FAB]  }
0x2a: {  	p0 =	seq.s32 s5, $0x0;
	s5 =	sld [smem:$0x3FAC]  }
0x2b: {  	s6 =	sld [smem:$0x3FAD]  }
0x2c: {  	s7 =	sld [smem:$0x3FAE]  }
0x2d: {  	s3 =	simm.s32 $0x108;
	s8 =	sld [smem:$0x3FAF]  }
0x2e: {  	s3 =	simm.s32 @!p0 $0x1082;
	s9 =	sld [smem:$0x3FB0]  }
0x2f: {  	lr =	sadd.s32 s0, s3;
	s0 =	sld [smem:$0x3FA7]  }
0x30: {  	s3 =	sld [smem:$0x3FAA]  }
0x31: {  	[smem:$0x3FB3] =	sst s10  }
0x32: {  	s10 =	sld [smem:$0x3FB1];
	_ =	sdelay $0x3  }
0x33: {  	p0 =	seq.s32 s10, $0x1;
	s10 =	sld [smem:$0x3FB3];
	_ =	sdelay $0x3  }
0x34: {  	[smem:$0x3FB3] =	sst s10  }
0x35: {  	s10 =	sld [smem:$0x3FB2];
	_ =	sdelay $0x3  }
0x36: {  	p1 =	seq.s32 s10, $0x1;
	s10 =	sld [smem:$0x3FB3];
	_ =	sdelay $0x3  }
0x37: {  	[smem:$0x3FB3] =	sst s10  }
0x38: {  	s10 =	sld [smem:$0x3FB4]  }
0x39: {  	_ = 	snop;
	(pc) =	sbr.ind lr, $3  }
0x3a: {  	_ = 	snop  }
0x3b: {  	_ = 	snop  }
0x3c: {  	p2 =	seq.s32 s10, $0x1;
	s10 =	sld [smem:$0x3FB3]  }
0x3d: {  	_ =	shalt  }
0x3e: {  	_ =	shalt  }
0x3f: {  	_ =	shalt  }
0x40: {  	_ =	shalt  }
0x41: {  	_ =	shalt  }
0x42: {  	_ =	shalt  }
0x43: {  	_ =	shalt  }
0x44: {  	_ =	shalt  }
0x45: {  	_ =	shalt  }
0x46: {  	_ =	shalt  }
0x47: {  	_ =	shalt  }
0x48: {  	_ =	shalt  }
0x49: {  	_ =	shalt  }
0x4a: {  	_ =	shalt  }
0x4b: {  	_ =	shalt  }
0x4c: {  	_ =	shalt  }
0x4d: {  	_ =	shalt  }
0x4e: {  	_ =	shalt  }
0x4f: {  	_ =	shalt  }
0x50: {  	_ =	shalt  }
0x51: {  	_ =	shalt  }
0x52: {  	_ =	shalt  }
0x53: {  	_ =	shalt  }
0x54: {  	_ =	shalt  }
0x55: {  	_ =	shalt  }
0x56: {  	_ =	shalt  }
0x57: {  	_ =	shalt  }
0x58: {  	_ =	shalt  }
0x59: {  	_ =	shalt  }
0x5a: {  	_ =	shalt  }
0x5b: {  	_ =	shalt  }
0x5c: {  	_ =	shalt  }
0x5d: {  	_ =	shalt  }
0x5e: {  	_ =	shalt  }
0x5f: {  	_ =	shalt  }
0x60: {  	_ =	shalt  }
0x61: {  	_ =	shalt  }
0x62: {  	_ =	shalt  }
0x63: {  	_ =	shalt  }
0x64: {  	_ =	shalt  }
0x65: {  	_ =	shalt  }
0x66: {  	_ =	shalt  }
0x67: {  	_ =	shalt  }
0x68: {  	_ =	shalt  }
0x69: {  	_ =	shalt  }
0x6a: {  	_ =	shalt  }
0x6b: {  	_ =	shalt  }
0x6c: {  	_ =	shalt  }
0x6d: {  	_ =	shalt  }
0x6e: {  	_ =	shalt  }
0x6f: {  	_ =	shalt  }
0x70: {  	_ =	shalt  }
0x71: {  	_ =	shalt  }
0x72: {  	_ =	shalt  }
0x73: {  	_ =	shalt  }
0x74: {  	_ =	shalt  }
0x75: {  	_ =	shalt  }
0x76: {  	_ =	shalt  }
0x77: {  	_ =	shalt  }
0x78: {  	_ =	shalt  }
0x79: {  	_ =	shalt  }
0x7a: {  	_ =	shalt  }
0x7b: {  	_ =	shalt  }
0x7c: {  	_ =	shalt  }
0x7d: {  	_ =	shalt  }
0x7e: {  	_ =	shalt  }
0x7f: {  	_ =	shalt  }
0x80: {  	_ =	shalt  }
0x81: {  	_ =	shalt  }
0x82: {  	_ =	shalt  }
0x83: {  	_ =	shalt  }
0x84: {  	_ =	shalt  }
0x85: {  	_ =	shalt  }
0x86: {  	_ =	shalt  }
0x87: {  	_ =	shalt  }
.Lfunc_end0:
.L_simem_size_0:
called_computation.1_lowered:
.L_overlay_start_0:
0x88: {  	s2 =	sld [smem:$0x3FD9]  }
0x89: {  	s3 =	sld [smem:$0x3FFE];
	_ =	sdelay $0x1  }
0x8a: {  	s1 =	srdreg.scid  }
0x8b: {  	s0 =	sand.u32 $0x1, s1  }
0x8c: {  	s16 =	sshll.u32 s0, $0xA;
	s2 =	sadd.s32 s3, s2  }
0x8d: {  	s2 =	sadd.s32 s2, s16  }
0x8e: {  	[smem:$0x3FBF] =	sst s2  }
0x8f: {  	_ = 	snop  }
0x90: {  	(tm) =	ssettm $0x1  }
0x91: {  	s17 =	sld [smem:$0x3FFB];
	_ =	sdelay $0x3  }
0x92: {  	_ =	strace s17  }
0x93: {  	s2 =	sld [smem:$0x3FFC];
	_ =	sdelay $0x3  }
0x94: {  	_ =	strace s2  }
0x95: {  	s2 =	sld [smem:$0x3FFD];
	_ =	sdelay $0x3  }
0x96: {  	_ =	strace s2  }
0x97: {  	_ =	strace $0x8FFFFFFF  }
0x98: {  	s18 =	sld [smem:$0x3FDB];
	_ =	sdelay $0x1  }
0x99: {  	s19 =	simm.s32 $_scs_section_size  }
0x9a: {  	s4 =	simm.s32 $_size__tile_overlayer_lowered;
	s5 =	simm.s32 $_tile_overlayer_lowered  }
0x9b: {  	s22 =	simm.s32 $0x1BFF;
	s21 =	sshll.u32 s5, $0x1;
	s2 =	sadd.s32 s19, s18  }
0x9c: {  	s6 =	simm.s32 $0x0;
	s20 =	sshll.u32 s4, $0x1;
	s4 =	sadd.s32 s21, s2  }
0x9d: {  	[timem:s6], [sflag:s22] =	dma.local [hbm:s4], s20  }
0x9e: {  	_ =	swait.ge [sflag:s22], s20  }
0x9f: {  	s3 =	ssub.s32 $0x0, s20;
	[sflag:s22] =	ssyncset.done $0x0  }
0xa0: {  	[sflag:s22] =	ssyncadd.s32 s3;
	_ =	sdelay $0x1  }
0xa1: {  	s23 =	simm.s32 $0x1B8B  }
0xa2: {  	_ =	swait.ge [sflag:s23], $0x1  }
0xa3: {  	[sflag:s23] =	ssyncset.done $0x0  }
0xa4: {  	s25 =	simm.s32 $0x1B8E;
	s24 =	sld [smem:$0x3FFE];
	[sflag:s23] =	ssyncadd.s32 $0xFFFFFFFF  }
0xa5: {  	s26 =	simm.s32 $execute0_lowered;
	[smem:$0x3FD2] =	sst s25  }
0xa6: {  	s4 =	sshll.u32 s26, $0x1;
	_ =	strace $0x80000046;
	[dreg:$0x1] =	wrdreg $0xFFFFFFFF  }
0xa7: {  	s28 =	simm.s32 $_size_execute0_lowered;
	s2 =	sadd.s32 s2, s4;
	[dreg:$0x0] =	wrdreg $0x0  }
0xa8: {  	s4 =	sshll.u32 s28, $0x1;
	[dreg:$0x2] =	wrdreg s2  }
0xa9: {  	[dreg:$0x3] =	wrdreg s4  }
0xaa: {  	[dreg:$0x4] =	wrdreg $0xC0  }
0xab: {  	_ =	task [dreg:s6], $0x5FFFF  }
0xac: {  	[dreg:$0x1] =	wrdreg $0xFFFFFFFF  }
0xad: {  	[dreg:$0x0] =	wrdreg $0x60  }
0xae: {  	[dreg:$0x2] =	wrdreg s24  }
0xaf: {  	[dreg:$0x3] =	wrdreg $0xA  }
0xb0: {  	_ =	task.clear_ibuf [dreg:s6], $0x4FFFF;
	_ =	strace $0x90000046  }
0xb1: {  	s29 =	simm.s32 $0xA;
	_ =	strace $0x80000048  }
0xb2: {  	_ =	swait.ge [sflag:s29], $0x1  }
0xb3: {  	[sflag:s29] =	ssyncadd.s32 $0xFFFFFFFF  }
0xb4: {  	_ =	strace $0x90000048  }
0xb5: {  	_ =	sfence  }
0xb6: {  	s30 =	sld [smem:$0x0];
	_ =	sdelay $0x2  }
0xb7: {  	s31 =	sshll.u32 s1, $0xD;
	s1 =	sshrl.u32 s1, $0x2  }
0xb8: {  	s3 =	sand.u32 $0x4000, s31;
	s1 =	sadd.s32 s1, s30  }
0xb9: {  	s0 =	sor.u32 s3, s0;
	s1 =	sshll.u32 s1, $0x11  }
0xba: {  	s0 =	sor.u32 s1, s0  }
0xbb: {  	s0 =	sadd.s32 $0x8F2B, s0  }
0xbc: {  	[sflag:s0] =	ssyncadd.remote.s32 $0x1  }
0xbd: {  	_ =	sfence.sel $0xFFFF  }
0xbe: {  	[dreg:$0x0] =	wrdreg $0xFFFFFFFF;
	(pc) =	sbr.abs _section_cstart, $3  }
0xbf: {  	[dreg:$0x1] =	wrdreg $0xFFFFFFFF  }
0xc0: {  	_ =	task.clear_ibuf [dreg:s6], $0x2FFFF;
	_ =	strace $0x9FFFFFFF  }
0xc1: {  	(tm) =	ssettm $0x7FFFFFFF  }
tec
execute0_lowered:
.L_overlay_start_1:
0x0: {  	(tag) =	ssettag $0x1  }
0x1: {  	s0 =	srdreg.scid  }
0x2: {  	s2 =	stileid.u32;
	s1 =	rddreg [dreg:$0x0]  }
0x3: {  	s10 =	simm.s32 $0x2;
	s11 =	simm.s32 $0x80;
	s13 =	simm.s32 $0x4500  }
0x4: {  	s14 =	simm.s32 $0x4080;
	s15 =	simm.s32 $0x5500;
	s16 =	simm.s32 $0x4100  }
0x5: {  	s17 =	simm.s32 $0x6500;
	s18 =	simm.s32 $0x4180;
	s19 =	simm.s32 $0x7500  }
0x6: {  	s25 =	simm.s32 $0xA500;
	s28 =	simm.s32 $0xB500;
	s29 =	simm.s32 $0x4400  }
0x7: {  	s30 =	simm.s32 $0xC500;
	s0 =	sand.u32 $0x1, s0;
	s3 =	sshll.u32 s2, $0x1  }
0x8: {  	s31 =	simm.s32 $0x4480;
	s2 =	simm.s32 $0x0;
	s5 =	sor.u32 s0, s3  }
0x9: {  	[smem:$0x7FF] =	sst s2;
	s0 =	ssub.s32 $0x2, s0;
	s3 =	smul.u32 $0x600, s5  }
0xa: {  	_ =	strace $0x80000047;
	s4 =	sshll.u32 s5, $0x9;
	s8 =	sshll.u32 s5, $0xB  }
0xb: {  	s9 =	sshrl.u32 s0, $0x1;
	s7 =	sadd.s32 s4, s1;
	s4 =	sadd.s32 $0x402E00, s1  }
0xc: {  	s0 =	ssub.s32 s0, s9;
	s6 =	sadd.s32 s3, s1;
	s3 =	sadd.s32 $0x6E00, s1  }
0xd: {  	s1 =	sadd.s32 s8, s1;
	s26 =	sadd.s32 $0x2E00, s7;
	s0 =	smax.u32 s0, $0x1  }
0xe: {  	s8 =	simm.s32 $0x0;
	s6 =	sadd.s32 $0x3E6E00, s6;
	[dreg:$0x3] =	wrdreg s26  }
0xf: {  	s1 =	sadd.s32 $0x3F2E00, s1;
	[dreg:$0x5] =	wrdreg s0;
	s26 =	simm.s32 $0x4380  }
0x10: {  	v0 =	vlaneseq.u32;
	s0 =	simm.s32 $0x1;
	[dreg:$0x2] =	wrdreg s6;
	s6 =	smul.u32 $0x2800, s5  }
0x11: {  	v1 =	vand.u32 $0x3, v0;
	v2 =	vmul.u32 $0x8, v0;
	[dreg:$0x4] =	wrdreg s1;
	s1 =	simm.s32 $0xD500;
	s5 =	simm.s32 $0x3000  }
.LBB2_1:
0x12: {  	[dreg:$0x6] =	wrdreg s8  }
0x13: {  	s7 =	rddreg [dreg:$0x2]  }
0x14: {  	[tilespmem:s2], [sflag:$0x2] =	stream.linear.gather [hbm4b:s7+s2], $0x3000, $0x38;
	[tilespmem:$0xE500] =	vst v63  }
0x15: {  	_ =	swait.ge [sflag:s10], $0x3000  }
0x16: {  	[sflag:s10] =	ssyncset.done $0x0  }
0x17: {  	s8 =	simm.s32 $0x0;
	s9 =	simm.s32 $0x0;
	[sflag:s10] =	ssyncadd.s32 $0xFFFFD000  }
.LBB2_2:
0x18: {  	v3 =	vmov s8  }
0x19: {  	v3 =	vshrl.u32 v3, $0x5  }
0x1a: {  	v4 =	vmul.u32 $0xCCCD, v3;
	_ =	sdelay $0x1  }
0x1b: {  	v5 =	vor.u32 s8, v0;
	v4 =	vshrl.u32 v4, $0x12  }
0x1c: {  	v5 =	vshrl.u32 v5, $0x2;
	v6 =	vmul.u32 $0x3FFFFFFB, v4  }
0x1d: {  	v5 =	vand.u32 $0x7, v5;
	v4 =	vshll.u32 v4, $0x3  }
0x1e: {  	v4 =	vor.u32 v5, v4;
	v3 =	vadd.s32 v3, v6  }
0x1f: {  	v4 =	vmul.u32 $0x18, v4;
	v3 =	vshll.u32 v3, $0x2  }
0x20: {  	s7 =	sadd.s32 $0x10, s8;
	v5 =	vor.u32 v1, v3;
	v3 =	vand.u32 $0xFFFFFFF8, v3  }
0x21: {  	v6 =	vmov s7;
	v5 =	vand.u32 $0x7, v5;
	v3 =	vadd.s32 v4, v3  }
0x22: {  	v6 =	vshrl.u32 v6, $0x5;
	v3 =	vor.u32 v5, v3  }
0x23: {  	v4 =	vmul.u32 $0xCCCD, v6;
	_ =	sdelay $0x1  }
0x24: {  	v5 =	vor.u32 s7, v0;
	v7 =	vshrl.u32 v4, $0x12  }
0x25: {  	v5 =	vshrl.u32 v5, $0x2;
	v8 =	vmul.u32 $0x3FFFFFFB, v7  }
0x26: {  	v4 =	vld.idx.msk [tilespmem:v3+s2+$0x0], $0xffff;
	v3 =	vand.u32 $0x7, v5;
	v5 =	vshll.u32 v7, $0x3  }
0x27: {  	v6 =	vadd.s32 v6, v8;
	v3 =	vor.u32 v3, v5  }
0x28: {  	v5 =	vshll.u32 v6, $0x2;
	v3 =	vmul.u32 $0x18, v3  }
0x29: {  	s22 =	sadd.s32 $0x10, s7;
	v6 =	vor.u32 v1, v5;
	v5 =	vand.u32 $0xFFFFFFF8, v5  }
0x2a: {  	s12 =	simm.s32 $0x0;
	s21 =	simm.s32 $0x40;
	v7 =	vmov s22;
	v6 =	vand.u32 $0x7, v6;
	v5 =	vadd.s32 v3, v5  }
0x2b: {  	s20 =	simm.s32 $0x80;
	s23 =	simm.s32 $0xC0;
	s7 =	smul.u32 $0x500, s9;
	v3 =	vshrl.u32 v7, $0x5;
	v5 =	vor.u32 v6, v5;
	v6 =	vshll.u32 v4, $0x2  }
.LBB2_3:
0x2c: {  	p0 =	sne.s32 s23, $0x13C0;
	v7 =	vand.u32 $0xFFFFC000, v4;
	v6 =	vand.u32 $0x3FFC, v6;
	v4 =	vshrl.u32 v4, $0xC  }
0x2d: {  	v8 =	vmul.u32 $0xCCCD, v3;
	v6 =	vor.u32 v7, v6;
	v4 =	vand.u32 $0x3, v4  }
0x2e: {  	s24 =	sshra.s32 s12, $0x2;
	s12 =	smov.u32 s21;
	s21 =	smov.u32 s20;
	v4 =	vor.u32 v4, v6  }
0x2f: {  	s20 =	smov.u32 s23;
	v6 =	vor.u32 s22, v0;
	v7 =	vshrl.u32 v8, $0x12;
	[tilespmem:s24+$0x4000] =	vst v4  }
0x30: {  	v6 =	vshrl.u32 v6, $0x2;
	v8 =	vmul.u32 $0x3FFFFFFB, v7;
	v4 =	vld.idx.msk [tilespmem:v5+s2+$0x0], $0xffff  }
0x31: {  	v5 =	vand.u32 $0x7, v6;
	v6 =	vshll.u32 v7, $0x3  }
.Ltmp0:
0x32: {  	v3 =	vadd.s32 v3, v8;
	v5 =	vor.u32 v5, v6;
	(pc) =	sbr.rel @p0 .LBB2_3-.Ltmp0, $4  }
0x33: {  	v3 =	vshll.u32 v3, $0x2;
	v5 =	vmul.u32 $0x18, v5  }
0x34: {  	s22 =	sadd.s32 $0x10, s22;
	v6 =	vor.u32 v1, v3;
	v3 =	vand.u32 $0xFFFFFFF8, v3  }
0x35: {  	v7 =	vmov s22;
	v6 =	vand.u32 $0x7, v6;
	v5 =	vadd.s32 v5, v3  }
0x36: {  	s23 =	sadd.s32 $0x40, s23;
	v3 =	vshrl.u32 v7, $0x5;
	v5 =	vor.u32 v6, v5;
	v6 =	vshll.u32 v4, $0x2  }
0x37: {  	v7 =	vand.u32 $0xFFFFC000, v4  }
0x38: {  	v6 =	vand.u32 $0x3FFC, v6;
	v54 =	vshrl.u32 v4, $0xC;
	v8 =	vmul.u32 $0xCCCD, v3  }
0x39: {  	v6 =	vor.u32 v7, v6;
	v4 =	vand.u32 $0x3, v54  }
0x3a: {  	v55 =	vor.u32 s22, v0;
	s12 =	sshra.s32 s12, $0x2;
	v4 =	vor.u32 v4, v6;
	v56 =	vshrl.u32 v8, $0x12  }
0x3b: {  	v57 =	vshrl.u32 v55, $0x2;
	[tilespmem:s12+$0x4000] =	vst v4;
	v58 =	vmul.u32 $0x3FFFFFFB, v56  }
0x3c: {  	v4 =	vand.u32 $0x7, v57;
	v6 =	vshll.u32 v56, $0x3;
	v5 =	vld.idx.msk [tilespmem:v5+s2+$0x0], $0xffff  }
0x3d: {  	v4 =	vor.u32 v4, v6;
	v3 =	vadd.s32 v3, v58  }
0x3e: {  	v4 =	vmul.u32 $0x18, v4;
	v3 =	vshll.u32 v3, $0x2  }
0x3f: {  	v59 =	vor.u32 v1, v3;
	v3 =	vand.u32 $0xFFFFFFF8, v3  }
0x40: {  	v6 =	vand.u32 $0x7, v59;
	v3 =	vadd.s32 v4, v3  }
0x41: {  	v3 =	vor.u32 v6, v3;
	v60 =	vshll.u32 v5, $0x2  }
0x42: {  	v61 =	vand.u32 $0xFFFFC000, v5;
	v5 =	vshrl.u32 v5, $0xC;
	v4 =	vand.u32 $0x3FFC, v60  }
0x43: {  	v5 =	vand.u32 $0x3, v5;
	v4 =	vor.u32 v61, v4  }
0x44: {  	s22 =	sshra.s32 s21, $0x2;
	v4 =	vor.u32 v5, v4  }
0x45: {  	[tilespmem:s22+$0x4000] =	vst v4  }
0x46: {  	v3 =	vld.idx.msk [tilespmem:v3+s2+$0x0], $0xffff;
	_ =	sdelay $0x4  }
0x47: {  	v62 =	vshll.u32 v3, $0x2  }
0x48: {  	v63 =	vand.u32 $0xFFFFC000, v3;
	v3 =	vshrl.u32 v3, $0xC;
	v4 =	vand.u32 $0x3FFC, v62  }
0x49: {  	v3 =	vand.u32 $0x3, v3;
	v4 =	vor.u32 v63, v4  }
0x4a: {  	s23 =	sshra.s32 s20, $0x2;
	v3 =	vor.u32 v3, v4  }
0x4b: {  	s24 =	simm.s32 $0x4000;
	[tilespmem:s23+$0x4000] =	vst v3  }
0x4c: {  	[tilespmem:s13], [sflag:$0x1] =	stream.indirect.gather [hbm4b:s3+s11], $0x20, s24, s11, $0xb8;
	[tilespmem:$0xE500] =	vst v63  }
0x4d: {  	_ = 	snop  }
0x4e: {  	[tilespmem:s15], [sflag:$0x1] =	stream.indirect.gather [hbm4b:s3+s11], $0x20, s14, s11, $0xb8;
	[tilespmem:$0xE500] =	vst v63  }
0x4f: {  	_ = 	snop  }
0x50: {  	[tilespmem:s17], [sflag:$0x1] =	stream.indirect.gather [hbm4b:s3+s11], $0x20, s16, s11, $0xb8;
	[tilespmem:$0xE500] =	vst v63  }
0x51: {  	_ = 	snop  }
0x52: {  	[tilespmem:s19], [sflag:$0x1] =	stream.indirect.gather [hbm4b:s3+s11], $0x20, s18, s11, $0xb8;
	[tilespmem:$0xE500] =	vst v63  }
0x53: {  	s20 =	simm.s32 $0x4200;
	s21 =	simm.s32 $0x8500  }
0x54: {  	[tilespmem:s21], [sflag:$0x1] =	stream.indirect.gather [hbm4b:s3+s11], $0x20, s20, s11, $0xb8;
	[tilespmem:$0xE500] =	vst v63  }
0x55: {  	s22 =	simm.s32 $0x4280;
	s23 =	simm.s32 $0x9500  }
0x56: {  	[tilespmem:s23], [sflag:$0x1] =	stream.indirect.gather [hbm4b:s3+s11], $0x20, s22, s11, $0xb8;
	[tilespmem:$0xE500] =	vst v63  }
0x57: {  	s24 =	simm.s32 $0x4300  }
0x58: {  	[tilespmem:s25], [sflag:$0x1] =	stream.indirect.gather [hbm4b:s3+s11], $0x20, s24, s11, $0xb8;
	[tilespmem:$0xE500] =	vst v63  }
0x59: {  	_ = 	snop  }
0x5a: {  	[tilespmem:s28], [sflag:$0x1] =	stream.indirect.gather [hbm4b:s3+s11], $0x20, s26, s11, $0xb8;
	[tilespmem:$0xE500] =	vst v63  }
0x5b: {  	_ = 	snop  }
0x5c: {  	[tilespmem:s30], [sflag:$0x1] =	stream.indirect.gather [hbm4b:s3+s11], $0x20, s29, s11, $0xb8;
	[tilespmem:$0xE500] =	vst v63  }
0x5d: {  	_ = 	snop  }
0x5e: {  	[tilespmem:s1], [sflag:$0x1] =	stream.indirect.gather [hbm4b:s3+s11], $0x20, s31, s11, $0xb8;
	[tilespmem:$0xE500] =	vst v63  }
0x5f: {  	_ =	swait.ge [sflag:s0], $0x1000  }
0x60: {  	[sflag:s0] =	ssyncset.done $0x0  }
0x61: {  	[sflag:s0] =	ssyncadd.s32 $0xFFFFF000  }
0x62: {  	_ =	swait.ge [sflag:s0], $0x1000  }
0x63: {  	[sflag:s0] =	ssyncset.done $0x0  }
0x64: {  	[sflag:s0] =	ssyncadd.s32 $0xFFFFF000  }
0x65: {  	_ =	swait.ge [sflag:s0], $0x1000  }
0x66: {  	[sflag:s0] =	ssyncset.done $0x0  }
0x67: {  	[sflag:s0] =	ssyncadd.s32 $0xFFFFF000  }
0x68: {  	_ =	swait.ge [sflag:s0], $0x1000  }
0x69: {  	[sflag:s0] =	ssyncset.done $0x0  }
0x6a: {  	[sflag:s0] =	ssyncadd.s32 $0xFFFFF000  }
0x6b: {  	_ =	swait.ge [sflag:s0], $0x1000  }
0x6c: {  	[sflag:s0] =	ssyncset.done $0x0  }
0x6d: {  	[sflag:s0] =	ssyncadd.s32 $0xFFFFF000  }
0x6e: {  	_ =	swait.ge [sflag:s0], $0x1000  }
0x6f: {  	[sflag:s0] =	ssyncset.done $0x0  }
0x70: {  	[sflag:s0] =	ssyncadd.s32 $0xFFFFF000  }
0x71: {  	_ =	swait.ge [sflag:s0], $0x1000  }
0x72: {  	[sflag:s0] =	ssyncset.done $0x0  }
0x73: {  	[sflag:s0] =	ssyncadd.s32 $0xFFFFF000  }
0x74: {  	_ =	swait.ge [sflag:s0], $0x1000  }
0x75: {  	[sflag:s0] =	ssyncset.done $0x0  }
0x76: {  	[sflag:s0] =	ssyncadd.s32 $0xFFFFF000  }
0x77: {  	_ =	swait.ge [sflag:s0], $0x1000  }
0x78: {  	[sflag:s0] =	ssyncset.done $0x0  }
0x79: {  	[sflag:s0] =	ssyncadd.s32 $0xFFFFF000  }
0x7a: {  	s7 =	sadd.s32 s6, s7;
	s9 =	sadd.s32 $0x1, s9;
	_ =	swait.ge [sflag:s0], $0x1000  }
0x7b: {  	s7 =	sshll.u32 s7, $0x2;
	p0 =	sne.s32 s9, $0x8;
	[sflag:s0] =	ssyncset.done $0x0  }
.Ltmp1:
0x7c: {  	s7 =	sadd.s32 s4, s7;
	[sflag:s0] =	ssyncadd.s32 $0xFFFFF000;
	(pc) =	sbr.rel @p0 .LBB2_2-.Ltmp1, $4  }
0x7d: {  	[hbm4b:s7+s2] =	stream.linear.scatter [tilespmem:s13], [sflag:$0x2], $0xA000, $0x38;
	[tilespmem:$0xE500] =	vst v63  }
0x7e: {  	_ =	swait.ge [sflag:s10], $0xA000  }
0x7f: {  	[sflag:s10] =	ssyncset.done $0x0  }
0x80: {  	s8 =	sadd.s32 $0x500, s8;
	[sflag:s10] =	ssyncadd.s32 $0xFFFF6000  }
0x81: {  	s7 =	simm.s32 $0x0  }
0x82: {  	v3 =	vmov s7  }
0x83: {  	v3 =	vshll.u32 v3, $0x3  }
0x84: {  	v3 =	vor.u32 v2, v3  }
0x85: {  	s8 =	rddreg [dreg:$0x3];
	v3 =	vor.u32 $0x1, v3  }
0x86: {  	[tilespmem:s5], [sflag:$0x2] =	stream.linear.gather [hbm4b:s8+s7], $0x1000, $0x38;
	[tilespmem:$0xE500] =	vst v63  }
0x87: {  	_ =	swait.ge [sflag:s10], $0x1000  }
0x88: {  	[sflag:s10] =	ssyncset.done $0x0  }
0x89: {  	[sflag:s10] =	ssyncadd.s32 $0xFFFFF000  }
0x8a: {  	v3 =	vld.idx.msk [tilespmem:v3+s5+$0x0], $0xffff  }
0x8b: {  	s23 =	simm.s32 $0x10  }
0x8c: {  	v4 =	vmov s23  }
0x8d: {  	v4 =	vshll.u32 v4, $0x3  }
0x8e: {  	v4 =	vor.u32 v2, v4  }
0x8f: {  	v4 =	vor.u32 $0x1, v4;
	v5 =	vshll.u32 v3, $0x2  }
0x90: {  	v6 =	vand.u32 $0xFFFFC000, v3;
	v3 =	vshrl.u32 v3, $0xC;
	v5 =	vand.u32 $0x3FFC, v5  }
0x91: {  	v3 =	vand.u32 $0x3, v3;
	v5 =	vor.u32 v6, v5  }
0x92: {  	s7 =	simm.s32 $0x4000;
	v3 =	vor.u32 v3, v5  }
0x93: {  	[tilespmem:s7+$0x0] =	vst v3  }
0x94: {  	v3 =	vld.idx.msk [tilespmem:v4+s5+$0x0], $0xffff  }
0x95: {  	s24 =	simm.s32 $0x20  }
0x96: {  	s8 =	simm.s32 $0x30;
	v4 =	vmov s24  }
.LBB2_6:
0x97: {  	p0 =	sne.s32 s8, $0x1F0;
	v4 =	vshll.u32 v4, $0x3  }
0x98: {  	v4 =	vor.u32 v2, v4  }
0x99: {  	v5 =	vshll.u32 v3, $0x2;
	v4 =	vor.u32 $0x1, v4  }
0x9a: {  	v6 =	vand.u32 $0xFFFFC000, v3;
	v3 =	vshrl.u32 v3, $0xC;
	v5 =	vand.u32 $0x3FFC, v5  }
0x9b: {  	v3 =	vand.u32 $0x3, v3;
	v5 =	vor.u32 v6, v5  }
0x9c: {  	s7 =	sadd.s32 $0x10, s7;
	v3 =	vor.u32 v3, v5  }
.Ltmp2:
0x9d: {  	[tilespmem:s7+$0x0] =	vst v3;
	(pc) =	sbr.rel @p0 .LBB2_6-.Ltmp2, $2  }
0x9e: {  	v3 =	vld.idx.msk [tilespmem:v4+s5+$0x0], $0xffff;
	_ =	sdelay $0x2  }
0x9f: {  	v4 =	vmov s8;
	s8 =	sadd.s32 $0x10, s8  }
0xa0: {  	v4 =	vshll.u32 v4, $0x3  }
0xa1: {  	v4 =	vor.u32 v2, v4  }
0xa2: {  	v5 =	vshll.u32 v3, $0x2;
	v4 =	vor.u32 $0x1, v4  }
0xa3: {  	v6 =	vand.u32 $0xFFFFC000, v3;
	v3 =	vshrl.u32 v3, $0xC;
	v5 =	vand.u32 $0x3FFC, v5  }
0xa4: {  	v3 =	vand.u32 $0x3, v3;
	v5 =	vor.u32 v6, v5  }
0xa5: {  	s7 =	sadd.s32 $0x10, s7;
	v3 =	vor.u32 v3, v5  }
0xa6: {  	[tilespmem:s7+$0x0] =	vst v3  }
0xa7: {  	v3 =	vld.idx.msk [tilespmem:v4+s5+$0x0], $0xffff;
	_ =	sdelay $0x4  }
0xa8: {  	v4 =	vshll.u32 v3, $0x2  }
0xa9: {  	v63 =	vand.u32 $0xFFFFC000, v3;
	v3 =	vshrl.u32 v3, $0xC;
	v4 =	vand.u32 $0x3FFC, v4  }
0xaa: {  	v3 =	vand.u32 $0x3, v3;
	v4 =	vor.u32 v63, v4  }
0xab: {  	s7 =	sadd.s32 $0x10, s7;
	v3 =	vor.u32 v3, v4  }
0xac: {  	s22 =	simm.s32 $0x4000;
	[tilespmem:s7+$0x0] =	vst v3  }
0xad: {  	[tilespmem:s13], [sflag:$0x1] =	stream.indirect.gather [hbm4b:s3+s11], $0x20, s22, s11, $0xb8;
	[tilespmem:$0xE500] =	vst v63  }
0xae: {  	_ = 	snop  }
0xaf: {  	[tilespmem:s15], [sflag:$0x1] =	stream.indirect.gather [hbm4b:s3+s11], $0x20, s14, s11, $0xb8;
	[tilespmem:$0xE500] =	vst v63  }
0xb0: {  	_ = 	snop  }
0xb1: {  	[tilespmem:s17], [sflag:$0x1] =	stream.indirect.gather [hbm4b:s3+s11], $0x20, s16, s11, $0xb8;
	[tilespmem:$0xE500] =	vst v63  }
0xb2: {  	_ = 	snop  }
0xb3: {  	[tilespmem:s19], [sflag:$0x1] =	stream.indirect.gather [hbm4b:s3+s11], $0x20, s18, s11, $0xb8;
	[tilespmem:$0xE500] =	vst v63  }
0xb4: {  	_ =	swait.ge [sflag:s0], $0x1000  }
0xb5: {  	[sflag:s0] =	ssyncset.done $0x0  }
0xb6: {  	[sflag:s0] =	ssyncadd.s32 $0xFFFFF000  }
0xb7: {  	_ =	swait.ge [sflag:s0], $0x1000  }
0xb8: {  	[sflag:s0] =	ssyncset.done $0x0  }
0xb9: {  	[sflag:s0] =	ssyncadd.s32 $0xFFFFF000  }
0xba: {  	_ =	swait.ge [sflag:s0], $0x1000  }
0xbb: {  	[sflag:s0] =	ssyncset.done $0x0  }
0xbc: {  	[sflag:s0] =	ssyncadd.s32 $0xFFFFF000  }
0xbd: {  	_ =	swait.ge [sflag:s0], $0x1000  }
0xbe: {  	[sflag:s0] =	ssyncset.done $0x0  }
0xbf: {  	s23 =	rddreg [dreg:$0x4];
	[sflag:s0] =	ssyncadd.s32 $0xFFFFF000  }
0xc0: {  	[hbm4b:s23+s2] =	stream.linear.scatter [tilespmem:s13], [sflag:$0x2], $0x4000, $0x38;
	[tilespmem:$0xE500] =	vst v63  }
0xc1: {  	_ =	swait.ge [sflag:s10], $0x4000  }
0xc2: {  	s8 =	rddreg [dreg:$0x6]  }
0xc3: {  	s24 =	rddreg [dreg:$0x5];
	s8 =	sadd.s32 $0x1, s8  }
0xc4: {  	p0 =	sne.s32 s8, s24  }
.Ltmp3:
0xc5: {  	_ = 	snop;
	(pc) =	sbr.rel @p0 .LBB2_1-.Ltmp3, $3  }
0xc6: {  	_ =	sdelay $0x1  }
0xc7: {  	[sflag:s10] =	ssyncset.done $0x0  }
0xc8: {  	[sflag:s10] =	ssyncadd.s32 $0xFFFFC000  }
0xc9: {  	_ =	sfence.sel $0x180000  }
0xca: {  	[bflag:$0x0] =	sbarrier.arrive $0xFFFF  }
0xcb: {  	_ =	strace $0x90000047  }
0xcc: {  	s0 =	stileid.u32;
	[bflag:$0x2] =	sbarrier.arrive $0xFFFF  }
0xcd: {  	p0 =	sne.s32 s0, $0x0;
	s0 =	rddreg [dreg:$0x1]  }
0xce: {  	s0 =	sadd.s32 @!p0 $0x100000, s0  }
0xcf: {  	[sflag:s0] =	ssyncadd.tile.s32 @!p0 $0x1;
	_ =	shalt  }
.Lfunc_end2:
_tile_overlayer_lowered:
.L_overlay_start_2:
0xd0: {  	(tag) =	ssettag $0x2  }
0xd1: {  	s0 =	rddreg [dreg:$0x0];
	s2 =	stileid.u32  }
0xd2: {  	s1 =	rddreg [dreg:$0x1];
	p0 =	sne.s32 s2, $0x0  }
0xd3: {  	s3 =	rddreg [dreg:$0x2];
	[bflag:$0x3] =	sbarrier.arrive $0xFFFF;
	s2 =	simm.s32 @!p0 $0x1C02  }
0xd4: {  	[timem:s3], [sflag:s2] =	dma.local @!p0 [hbm:s0], s1  }
0xd5: {  	s0 =	simm.s32 @!p0 $0x2  }
0xd6: {  	_ =	swait.ge @!p0 [sflag:s0], s1  }
0xd7: {  	s1 =	ssub.s32 @!p0 $0x0, s1;
	[sflag:s0] =	ssyncset.done @!p0 $0x0  }
0xd8: {  	[sflag:s0] =	ssyncadd.s32 @!p0 s1  }
0xd9: {  	[bflag:$0x3] =	sbarrier.arrive $0xFFFF  }
0xda: {  	_ =	shalt  }

</sc_bundles>
